<compile_context>
chip_gen: v7x
topology: tpu7x:2x2x1
jax: 0.10.2.dev20260603
libtpu: 0.0.44.dev20260713+nightly
codegen_flags: <defaults>
</compile_context>

<pallas_src>
import functools

import jax
import jax.numpy as jnp
from jax import lax
from jax.experimental import pallas as pl
from jax.experimental.pallas import tpu as pltpu
from jax.experimental.pallas import tpu_sc as plsc

_D = 32
_T = 200
_NC = 2
_NS = 16
_NW = _NC * _NS
_RI = 2
_NBUF = 4
_SEG = ((0, 128), (128, _T - 128))


def _gather_body(idx_hbm, table_hbm, out_hbm, *scratch):
    idx_v, rows_v = scratch[0], scratch[1]
    sem_idx = scratch[2:2 + _NBUF]
    sem_gat = scratch[2 + _NBUF:2 + 2 * _NBUF]
    sem_out = scratch[2 + 2 * _NBUF:2 + 3 * _NBUF]

    wid = lax.axis_index("s") * _NC + lax.axis_index("c")
    rows_per_w = out_hbm.shape[0] // _NW
    n_chunks = rows_per_w // _RI
    base = wid * rows_per_w

    def start_idx(c, b):
        pltpu.async_copy(
            idx_hbm.at[pl.ds(base + c * _RI, _RI)], idx_v.at[b], sem_idx[b])

    def wait_idx(b):
        pltpu.make_async_copy(
            idx_hbm.at[pl.ds(0, _RI)], idx_v.at[b], sem_idx[b]).wait()

    def wait_gat(b):
        pltpu.make_async_copy(
            out_hbm.at[pl.ds(0, _RI)], rows_v.at[b], sem_gat[b]).wait()

    def start_out(c, b):
        pltpu.async_copy(
            rows_v.at[b], out_hbm.at[pl.ds(base + c * _RI, _RI)], sem_out[b])

    def wait_out(b):
        pltpu.make_async_copy(
            rows_v.at[b], out_hbm.at[pl.ds(0, _RI)], sem_out[b]).wait()

    def fire_gathers(b):
        for i in range(_RI):
            for off, ln in _SEG:
                pltpu.async_copy(
                    table_hbm.at[idx_v.at[b, i, pl.ds(off, ln)]],
                    rows_v.at[b, i, pl.ds(off, ln)],
                    sem_gat[b])

    for b in range(_NBUF):
        start_idx(b, b)

    def outer(g, carry):
        for b in range(_NBUF):
            c = g * _NBUF + b
            wait_idx(b)

            @pl.when(g > 0)
            def _():
                wait_out(b)

            fire_gathers(b)

            bp = (b - 1) % _NBUF

            @pl.when(c > 0)
            def _():
                wait_gat(bp)
                start_out(c - 1, bp)

                @pl.when(c - 1 + _NBUF < n_chunks)
                def _():
                    start_idx(c - 1 + _NBUF, bp)
        return carry

    lax.fori_loop(0, n_chunks // _NBUF, outer, 0)

    bl = (n_chunks - 1) % _NBUF
    wait_gat(bl)
    start_out(n_chunks - 1, bl)
    for b in range(_NBUF):
        wait_out(b)


@jax.jit
def _run(idx2d, table):
    n_rows = idx2d.shape[0]
    mesh = plsc.VectorSubcoreMesh(core_axis_name="c", subcore_axis_name="s")
    scratch = [
        pltpu.VMEM((_NBUF, _RI, _T), jnp.int32),
        pltpu.VMEM((_NBUF, _RI, _T, _D), jnp.float32),
    ] + [pltpu.SemaphoreType.DMA] * (3 * _NBUF)
    return pl.kernel(
        _gather_body,
        mesh=mesh,
        out_type=jax.ShapeDtypeStruct((n_rows, _T, _D), jnp.float32),
        scratch_types=scratch,
        compiler_params=pltpu.CompilerParams(use_tc_tiling_on_sc=False),
    )(idx2d, table)


def kernel(time_steps, table):
    return _run(time_steps.astype(jnp.int32), table)

# --- scband reference (transcript-rebuilt; emitter-appended) ---
"""Pipeline reference for scband-time-step-encoder-58583353917616 (READ-ONLY COPY).

The authoritative reference and input builder live on the scoring server;
editing this copy changes nothing except your own understanding.
"""

import jax, jax.numpy as jnp
import numpy as np


def setup_inputs(seed: int = 0) -> dict:
    key = jax.random.key(seed)
    k1, k2 = jax.random.split(key)
    time_steps = jax.random.randint(k1, (16384, 200), 0, 100000, dtype=jnp.int64)
    # nn.Embedding weight: [max_sequence_length, d_model], N(0,1) init
    table = jax.random.normal(k2, (100000, 32), dtype=jnp.float32)
    return {"time_steps": time_steps, "table": table}


def reference(time_steps, table):
    # nn.Embedding forward: gather rows of the table by index
    embedd = jnp.take(table, time_steps, axis=0)
    return embedd

if __name__ == "__main__":
    import jax
    _d = setup_inputs()
    print(jax.jit(kernel)(*tuple(_d.values())))

</pallas_src>

<mosaic_0001>
#map = affine_map<(d0, d1) -> (0, 0)>
#map1 = affine_map<(d0, d1) -> (0, 0, 0)>
module attributes {stable_mosaic.version = 14 : i64} {
  func.func @_gather_body(%arg0: i32, %arg1: i32, %arg2: memref<16384x200xi32, #tpu.memory_space<hbm>>, %arg3: memref<100000x32xf32, #tpu.memory_space<hbm>>, %arg4: memref<16384x200x32xf32, #tpu.memory_space<hbm>>, %arg5: memref<4x2x200xi32, #tpu.memory_space<vmem>>, %arg6: memref<4x2x200x32xf32, #tpu.memory_space<vmem>>, %arg7: memref<!tpu.dma_semaphore, #tpu.memory_space<semaphore_mem>>, %arg8: memref<!tpu.dma_semaphore, #tpu.memory_space<semaphore_mem>>, %arg9: memref<!tpu.dma_semaphore, #tpu.memory_space<semaphore_mem>>, %arg10: memref<!tpu.dma_semaphore, #tpu.memory_space<semaphore_mem>>, %arg11: memref<!tpu.dma_semaphore, #tpu.memory_space<semaphore_mem>>, %arg12: memref<!tpu.dma_semaphore, #tpu.memory_space<semaphore_mem>>, %arg13: memref<!tpu.dma_semaphore, #tpu.memory_space<semaphore_mem>>, %arg14: memref<!tpu.dma_semaphore, #tpu.memory_space<semaphore_mem>>, %arg15: memref<!tpu.dma_semaphore, #tpu.memory_space<semaphore_mem>>, %arg16: memref<!tpu.dma_semaphore, #tpu.memory_space<semaphore_mem>>, %arg17: memref<!tpu.dma_semaphore, #tpu.memory_space<semaphore_mem>>, %arg18: memref<!tpu.dma_semaphore, #tpu.memory_space<semaphore_mem>>) attributes {dimension_semantics = [#tpu.dimension_semantics<core_parallel>, #tpu.dimension_semantics<subcore_parallel>], iteration_bounds = array<i64: 2, 16>, scalar_prefetch = 0 : i64, scratch_operands = 14 : i64, tpu.core_type = #tpu.core_type<sc_vector_subcore>, window_params = [{transform_indices = #map}, {transform_indices = #map}, {transform_indices = #map1}]} {
    %mul3A = arith.constant 2 : i32
    %mul3A_0 = arith.muli %arg1, %mul3A : i32
    %add3A = arith.addi %mul3A_0, %arg0 : i32
    %mul3A_1 = arith.constant 512 : i32
    %mul3A_2 = arith.muli %add3A, %mul3A_1 : i32
    %add3A_3 = arith.constant 0 : i32
    %add3A_4 = arith.addi %mul3A_2, %add3A_3 : i32
    %dma_start3A = arith.constant 0 : i32
    %dma_start3A_5 = arith.constant 0 : i32
    %dma_start3A_6 = arith.constant 0 : i32
    %dma_start3A_7 = tpu.memref_slice %arg5[%dma_start3A, %dma_start3A_5, %dma_start3A_6] : memref<4x2x200xi32, #tpu.memory_space<vmem>> -> memref<1x2x200xi32, #tpu.memory_space<vmem>>
    %dma_start3A_8 = tpu.memref_squeeze %dma_start3A_7 : memref<1x2x200xi32, #tpu.memory_space<vmem>> -> memref<2x200xi32, #tpu.memory_space<vmem>>
    %dma_start3A_9 = arith.constant 0 : i32
    %dma_start3A_10 = tpu.memref_slice %arg2[%add3A_4, %dma_start3A_9] : memref<16384x200xi32, #tpu.memory_space<hbm>> -> memref<2x200xi32, #tpu.memory_space<hbm>>
    %dma_start3A_11 = arith.constant 0 : i32
    %dma_start3A_12 = arith.constant 0 : i32
    %dma_start3A_13 = tpu.memref_slice %arg5[%dma_start3A, %dma_start3A_11, %dma_start3A_12] : memref<4x2x200xi32, #tpu.memory_space<vmem>> -> memref<1x2x200xi32, #tpu.memory_space<vmem>>
    %dma_start3A_14 = tpu.memref_squeeze %dma_start3A_13 : memref<1x2x200xi32, #tpu.memory_space<vmem>> -> memref<2x200xi32, #tpu.memory_space<vmem>>
    %dma_start3A_15 = arith.constant 0 : i32
    %dma_start3A_16 = tpu.memref_slice %arg2[%add3A_4, %dma_start3A_15] : memref<16384x200xi32, #tpu.memory_space<hbm>> -> memref<2x200xi32, #tpu.memory_space<hbm>>
    tpu.enqueue_dma source(%dma_start3A_16 : memref<2x200xi32, #tpu.memory_space<hbm>>) target(%dma_start3A_14 : memref<2x200xi32, #tpu.memory_space<vmem>>) target_semaphore(%arg7 : memref<!tpu.dma_semaphore, #tpu.memory_space<semaphore_mem>>)
    %add3A_17 = arith.constant 2 : i32
    %add3A_18 = arith.addi %mul3A_2, %add3A_17 : i32
    %dma_start3A_19 = arith.constant 1 : i32
    %dma_start3A_20 = arith.constant 0 : i32
    %dma_start3A_21 = arith.constant 0 : i32
    %dma_start3A_22 = tpu.memref_slice %arg5[%dma_start3A_19, %dma_start3A_20, %dma_start3A_21] : memref<4x2x200xi32, #tpu.memory_space<vmem>> -> memref<1x2x200xi32, #tpu.memory_space<vmem>>
    %dma_start3A_23 = tpu.memref_squeeze %dma_start3A_22 : memref<1x2x200xi32, #tpu.memory_space<vmem>> -> memref<2x200xi32, #tpu.memory_space<vmem>>
    %dma_start3A_24 = arith.constant 0 : i32
    %dma_start3A_25 = tpu.memref_slice %arg2[%add3A_18, %dma_start3A_24] : memref<16384x200xi32, #tpu.memory_space<hbm>> -> memref<2x200xi32, #tpu.memory_space<hbm>>
    %dma_start3A_26 = arith.constant 0 : i32
    %dma_start3A_27 = arith.constant 0 : i32
    %dma_start3A_28 = tpu.memref_slice %arg5[%dma_start3A_19, %dma_start3A_26, %dma_start3A_27] : memref<4x2x200xi32, #tpu.memory_space<vmem>> -> memref<1x2x200xi32, #tpu.memory_space<vmem>>
    %dma_start3A_29 = tpu.memref_squeeze %dma_start3A_28 : memref<1x2x200xi32, #tpu.memory_space<vmem>> -> memref<2x200xi32, #tpu.memory_space<vmem>>
    %dma_start3A_30 = arith.constant 0 : i32
    %dma_start3A_31 = tpu.memref_slice %arg2[%add3A_18, %dma_start3A_30] : memref<16384x200xi32, #tpu.memory_space<hbm>> -> memref<2x200xi32, #tpu.memory_space<hbm>>
    tpu.enqueue_dma source(%dma_start3A_31 : memref<2x200xi32, #tpu.memory_space<hbm>>) target(%dma_start3A_29 : memref<2x200xi32, #tpu.memory_space<vmem>>) target_semaphore(%arg8 : memref<!tpu.dma_semaphore, #tpu.memory_space<semaphore_mem>>)
    %add3A_32 = arith.constant 4 : i32
    %add3A_33 = arith.addi %mul3A_2, %add3A_32 : i32
    %dma_start3A_34 = arith.constant 2 : i32
    %dma_start3A_35 = arith.constant 0 : i32
    %dma_start3A_36 = arith.constant 0 : i32
    %dma_start3A_37 = tpu.memref_slice %arg5[%dma_start3A_34, %dma_start3A_35, %dma_start3A_36] : memref<4x2x200xi32, #tpu.memory_space<vmem>> -> memref<1x2x200xi32, #tpu.memory_space<vmem>>
    %dma_start3A_38 = tpu.memref_squeeze %dma_start3A_37 : memref<1x2x200xi32, #tpu.memory_space<vmem>> -> memref<2x200xi32, #tpu.memory_space<vmem>>
    %dma_start3A_39 = arith.constant 0 : i32
    %dma_start3A_40 = tpu.memref_slice %arg2[%add3A_33, %dma_start3A_39] : memref<16384x200xi32, #tpu.memory_space<hbm>> -> memref<2x200xi32, #tpu.memory_space<hbm>>
    %dma_start3A_41 = arith.constant 0 : i32
    %dma_start3A_42 = arith.constant 0 : i32
    %dma_start3A_43 = tpu.memref_slice %arg5[%dma_start3A_34, %dma_start3A_41, %dma_start3A_42] : memref<4x2x200xi32, #tpu.memory_space<vmem>> -> memref<1x2x200xi32, #tpu.memory_space<vmem>>
    %dma_start3A_44 = tpu.memref_squeeze %dma_start3A_43 : memref<1x2x200xi32, #tpu.memory_space<vmem>> -> memref<2x200xi32, #tpu.memory_space<vmem>>
    %dma_start3A_45 = arith.constant 0 : i32
    %dma_start3A_46 = tpu.memref_slice %arg2[%add3A_33, %dma_start3A_45] : memref<16384x200xi32, #tpu.memory_space<hbm>> -> memref<2x200xi32, #tpu.memory_space<hbm>>
    tpu.enqueue_dma source(%dma_start3A_46 : memref<2x200xi32, #tpu.memory_space<hbm>>) target(%dma_start3A_44 : memref<2x200xi32, #tpu.memory_space<vmem>>) target_semaphore(%arg9 : memref<!tpu.dma_semaphore, #tpu.memory_space<semaphore_mem>>)
    %add3A_47 = arith.constant 6 : i32
    %add3A_48 = arith.addi %mul3A_2, %add3A_47 : i32
    %dma_start3A_49 = arith.constant 3 : i32
    %dma_start3A_50 = arith.constant 0 : i32
    %dma_start3A_51 = arith.constant 0 : i32
    %dma_start3A_52 = tpu.memref_slice %arg5[%dma_start3A_49, %dma_start3A_50, %dma_start3A_51] : memref<4x2x200xi32, #tpu.memory_space<vmem>> -> memref<1x2x200xi32, #tpu.memory_space<vmem>>
    %dma_start3A_53 = tpu.memref_squeeze %dma_start3A_52 : memref<1x2x200xi32, #tpu.memory_space<vmem>> -> memref<2x200xi32, #tpu.memory_space<vmem>>
    %dma_start3A_54 = arith.constant 0 : i32
    %dma_start3A_55 = tpu.memref_slice %arg2[%add3A_48, %dma_start3A_54] : memref<16384x200xi32, #tpu.memory_space<hbm>> -> memref<2x200xi32, #tpu.memory_space<hbm>>
    %dma_start3A_56 = arith.constant 0 : i32
    %dma_start3A_57 = arith.constant 0 : i32
    %dma_start3A_58 = tpu.memref_slice %arg5[%dma_start3A_49, %dma_start3A_56, %dma_start3A_57] : memref<4x2x200xi32, #tpu.memory_space<vmem>> -> memref<1x2x200xi32, #tpu.memory_space<vmem>>
    %dma_start3A_59 = tpu.memref_squeeze %dma_start3A_58 : memref<1x2x200xi32, #tpu.memory_space<vmem>> -> memref<2x200xi32, #tpu.memory_space<vmem>>
    %dma_start3A_60 = arith.constant 0 : i32
    %dma_start3A_61 = tpu.memref_slice %arg2[%add3A_48, %dma_start3A_60] : memref<16384x200xi32, #tpu.memory_space<hbm>> -> memref<2x200xi32, #tpu.memory_space<hbm>>
    tpu.enqueue_dma source(%dma_start3A_61 : memref<2x200xi32, #tpu.memory_space<hbm>>) target(%dma_start3A_59 : memref<2x200xi32, #tpu.memory_space<vmem>>) target_semaphore(%arg10 : memref<!tpu.dma_semaphore, #tpu.memory_space<semaphore_mem>>)
    %scan3A = arith.constant 0 : i32
    %scan3A_62 = arith.constant 0 : i32
    %scan3A_63 = arith.constant 64 : i32
    %scan3A_64 = arith.addi %scan3A_62, %scan3A_63 : i32
    %scan3A_65 = arith.constant 1 : i32
    scf.for %scan3A_180 = %scan3A_62 to %scan3A_64 step %scan3A_65  : i32 {
      %mul3A_181 = arith.constant 4 : i32
      %mul3A_182 = arith.muli %scan3A_180, %mul3A_181 : i32
      %add3A_183 = arith.constant 0 : i32
      %add3A_184 = arith.addi %mul3A_182, %add3A_183 : i32
      %dma_wait3A_185 = arith.constant 0 : i32
      %dma_wait3A_186 = arith.constant 0 : i32
      %dma_wait3A_187 = arith.constant 0 : i32
      %dma_wait3A_188 = tpu.memref_slice %arg5[%dma_wait3A_185, %dma_wait3A_186, %dma_wait3A_187] : memref<4x2x200xi32, #tpu.memory_space<vmem>> -> memref<1x2x200xi32, #tpu.memory_space<vmem>>
      %dma_wait3A_189 = tpu.memref_squeeze %dma_wait3A_188 : memref<1x2x200xi32, #tpu.memory_space<vmem>> -> memref<2x200xi32, #tpu.memory_space<vmem>>
      %dma_wait3A_190 = arith.constant 0 : i32
      %dma_wait3A_191 = arith.constant 0 : i32
      %dma_wait3A_192 = tpu.memref_slice %arg2[%dma_wait3A_190, %dma_wait3A_191] : memref<16384x200xi32, #tpu.memory_space<hbm>> -> memref<2x200xi32, #tpu.memory_space<hbm>>
      %dma_wait3A_193 = arith.constant 0 : i32
      %dma_wait3A_194 = arith.constant 0 : i32
      %dma_wait3A_195 = tpu.memref_slice %arg5[%dma_wait3A_185, %dma_wait3A_193, %dma_wait3A_194] : memref<4x2x200xi32, #tpu.memory_space<vmem>> -> memref<1x2x200xi32, #tpu.memory_space<vmem>>
      %dma_wait3A_196 = tpu.memref_squeeze %dma_wait3A_195 : memref<1x2x200xi32, #tpu.memory_space<vmem>> -> memref<2x200xi32, #tpu.memory_space<vmem>>
      %dma_wait3A_197 = arith.constant 0 : i32
      %dma_wait3A_198 = arith.constant 0 : i32
      %dma_wait3A_199 = tpu.memref_slice %arg2[%dma_wait3A_197, %dma_wait3A_198] : memref<16384x200xi32, #tpu.memory_space<hbm>> -> memref<2x200xi32, #tpu.memory_space<hbm>>
      tpu.wait_dma2 semaphore(%arg7 : memref<!tpu.dma_semaphore, #tpu.memory_space<semaphore_mem>>) src(%dma_wait3A_199 : memref<2x200xi32, #tpu.memory_space<hbm>>) dst(%dma_wait3A_196 : memref<2x200xi32, #tpu.memory_space<vmem>>)
      %gt3A = arith.constant 0 : i32
      %gt3A_200 = arith.cmpi sgt, %scan3A_180, %gt3A : i32
      %convert_element_type3A = arith.extui %gt3A_200 : i1 to i32
      %cond3A = arith.constant 0 : i32
      %cond3A_201 = arith.cmpi ne, %convert_element_type3A, %cond3A : i32
      scf.if %cond3A_201 {
        %dma_wait3A_518 = arith.constant 0 : i32
        %dma_wait3A_519 = arith.constant 0 : i32
        %dma_wait3A_520 = arith.constant 0 : i32
        %dma_wait3A_521 = arith.constant 0 : i32
        %dma_wait3A_522 = tpu.memref_slice %arg6[%dma_wait3A_518, %dma_wait3A_519, %dma_wait3A_520, %dma_wait3A_521] : memref<4x2x200x32xf32, #tpu.memory_space<vmem>> -> memref<1x2x200x32xf32, #tpu.memory_space<vmem>>
        %dma_wait3A_523 = tpu.memref_squeeze %dma_wait3A_522 : memref<1x2x200x32xf32, #tpu.memory_space<vmem>> -> memref<2x200x32xf32, #tpu.memory_space<vmem>>
        %dma_wait3A_524 = arith.constant 0 : i32
        %dma_wait3A_525 = arith.constant 0 : i32
        %dma_wait3A_526 = arith.constant 0 : i32
        %dma_wait3A_527 = tpu.memref_slice %arg4[%dma_wait3A_524, %dma_wait3A_525, %dma_wait3A_526] : memref<16384x200x32xf32, #tpu.memory_space<hbm>> -> memref<2x200x32xf32, #tpu.memory_space<hbm>>
        %dma_wait3A_528 = arith.constant 0 : i32
        %dma_wait3A_529 = arith.constant 0 : i32
        %dma_wait3A_530 = arith.constant 0 : i32
        %dma_wait3A_531 = tpu.memref_slice %arg4[%dma_wait3A_528, %dma_wait3A_529, %dma_wait3A_530] : memref<16384x200x32xf32, #tpu.memory_space<hbm>> -> memref<2x200x32xf32, #tpu.memory_space<hbm>>
        %dma_wait3A_532 = arith.constant 0 : i32
        %dma_wait3A_533 = arith.constant 0 : i32
        %dma_wait3A_534 = arith.constant 0 : i32
        %dma_wait3A_535 = tpu.memref_slice %arg6[%dma_wait3A_518, %dma_wait3A_532, %dma_wait3A_533, %dma_wait3A_534] : memref<4x2x200x32xf32, #tpu.memory_space<vmem>> -> memref<1x2x200x32xf32, #tpu.memory_space<vmem>>
        %dma_wait3A_536 = tpu.memref_squeeze %dma_wait3A_535 : memref<1x2x200x32xf32, #tpu.memory_space<vmem>> -> memref<2x200x32xf32, #tpu.memory_space<vmem>>
        tpu.wait_dma2 semaphore(%arg15 : memref<!tpu.dma_semaphore, #tpu.memory_space<semaphore_mem>>) src(%dma_wait3A_536 : memref<2x200x32xf32, #tpu.memory_space<vmem>>) dst(%dma_wait3A_531 : memref<2x200x32xf32, #tpu.memory_space<hbm>>)
      } else {
      }
      %dma_start3A_202 = arith.constant 0 : i32
      %dma_start3A_203 = arith.constant 0 : i32
      %dma_start3A_204 = arith.constant 0 : i32
      %dma_start3A_205 = arith.constant 0 : i32
      %dma_start3A_206 = arith.constant 0 : i32
      %dma_start3A_207 = arith.constant 0 : i32
      %dma_start3A_208 = tpu.memref_slice %arg6[%dma_start3A_204, %dma_start3A_205, %dma_start3A_206, %dma_start3A_207] : memref<4x2x200x32xf32, #tpu.memory_space<vmem>> -> memref<1x1x128x32xf32, #tpu.memory_space<vmem>>
      %dma_start3A_209 = tpu.memref_squeeze %dma_start3A_208 : memref<1x1x128x32xf32, #tpu.memory_space<vmem>> -> memref<128x32xf32, #tpu.memory_space<vmem>>
      %dma_start3A_210 = arith.constant 0 : i32
      %dma_start3A_211 = tpu.memref_slice %arg5[%dma_start3A_202, %dma_start3A_203, %dma_start3A_210] : memref<4x2x200xi32, #tpu.memory_space<vmem>> -> memref<1x1x128xi32, #tpu.memory_space<vmem>>
      %dma_start3A_212 = tpu.memref_squeeze %dma_start3A_211 : memref<1x1x128xi32, #tpu.memory_space<vmem>> -> memref<128xi32, #tpu.memory_space<vmem>>
      %dma_start3A_213 = arith.constant 0 : i32
      %dma_start3A_214 = arith.constant 0 : i32
      %dma_start3A_215 = tpu.memref_slice %arg3[%dma_start3A_213, %dma_start3A_214] : memref<100000x32xf32, #tpu.memory_space<hbm>> -> memref<100000x32xf32, #tpu.memory_space<hbm>>
      tpu.enqueue_indirect_dma source(%dma_start3A_215 : memref<100000x32xf32, #tpu.memory_space<hbm>>) target(%dma_start3A_209 : memref<128x32xf32, #tpu.memory_space<vmem>>) offsets(%dma_start3A_212 : memref<128xi32, #tpu.memory_space<vmem>>) semaphore(%arg11 : memref<!tpu.dma_semaphore, #tpu.memory_space<semaphore_mem>>)
      %dma_start3A_216 = arith.constant 0 : i32
      %dma_start3A_217 = arith.constant 0 : i32
      %dma_start3A_218 = arith.constant 0 : i32
      %dma_start3A_219 = arith.constant 0 : i32
      %dma_start3A_220 = arith.constant 128 : i32
      %dma_start3A_221 = arith.constant 0 : i32
      %dma_start3A_222 = tpu.memref_slice %arg6[%dma_start3A_218, %dma_start3A_219, %dma_start3A_220, %dma_start3A_221] : memref<4x2x200x32xf32, #tpu.memory_space<vmem>> -> memref<1x1x72x32xf32, #tpu.memory_space<vmem>>
      %dma_start3A_223 = tpu.memref_squeeze %dma_start3A_222 : memref<1x1x72x32xf32, #tpu.memory_space<vmem>> -> memref<72x32xf32, #tpu.memory_space<vmem>>
      %dma_start3A_224 = arith.constant 128 : i32
      %dma_start3A_225 = tpu.memref_slice %arg5[%dma_start3A_216, %dma_start3A_217, %dma_start3A_224] : memref<4x2x200xi32, #tpu.memory_space<vmem>> -> memref<1x1x72xi32, #tpu.memory_space<vmem>>
      %dma_start3A_226 = tpu.memref_squeeze %dma_start3A_225 : memref<1x1x72xi32, #tpu.memory_space<vmem>> -> memref<72xi32, #tpu.memory_space<vmem>>
      %dma_start3A_227 = arith.constant 0 : i32
      %dma_start3A_228 = arith.constant 0 : i32
      %dma_start3A_229 = tpu.memref_slice %arg3[%dma_start3A_227, %dma_start3A_228] : memref<100000x32xf32, #tpu.memory_space<hbm>> -> memref<100000x32xf32, #tpu.memory_space<hbm>>
      tpu.enqueue_indirect_dma source(%dma_start3A_229 : memref<100000x32xf32, #tpu.memory_space<hbm>>) target(%dma_start3A_223 : memref<72x32xf32, #tpu.memory_space<vmem>>) offsets(%dma_start3A_226 : memref<72xi32, #tpu.memory_space<vmem>>) semaphore(%arg11 : memref<!tpu.dma_semaphore, #tpu.memory_space<semaphore_mem>>)
      %dma_start3A_230 = arith.constant 0 : i32
      %dma_start3A_231 = arith.constant 1 : i32
      %dma_start3A_232 = arith.constant 0 : i32
      %dma_start3A_233 = arith.constant 1 : i32
      %dma_start3A_234 = arith.constant 0 : i32
      %dma_start3A_235 = arith.constant 0 : i32
      %dma_start3A_236 = tpu.memref_slice %arg6[%dma_start3A_232, %dma_start3A_233, %dma_start3A_234, %dma_start3A_235] : memref<4x2x200x32xf32, #tpu.memory_space<vmem>> -> memref<1x1x128x32xf32, #tpu.memory_space<vmem>>
      %dma_start3A_237 = tpu.memref_squeeze %dma_start3A_236 : memref<1x1x128x32xf32, #tpu.memory_space<vmem>> -> memref<128x32xf32, #tpu.memory_space<vmem>>
      %dma_start3A_238 = arith.constant 0 : i32
      %dma_start3A_239 = tpu.memref_slice %arg5[%dma_start3A_230, %dma_start3A_231, %dma_start3A_238] : memref<4x2x200xi32, #tpu.memory_space<vmem>> -> memref<1x1x128xi32, #tpu.memory_space<vmem>>
      %dma_start3A_240 = tpu.memref_squeeze %dma_start3A_239 : memref<1x1x128xi32, #tpu.memory_space<vmem>> -> memref<128xi32, #tpu.memory_space<vmem>>
      %dma_start3A_241 = arith.constant 0 : i32
      %dma_start3A_242 = arith.constant 0 : i32
      %dma_start3A_243 = tpu.memref_slice %arg3[%dma_start3A_241, %dma_start3A_242] : memref<100000x32xf32, #tpu.memory_space<hbm>> -> memref<100000x32xf32, #tpu.memory_space<hbm>>
      tpu.enqueue_indirect_dma source(%dma_start3A_243 : memref<100000x32xf32, #tpu.memory_space<hbm>>) target(%dma_start3A_237 : memref<128x32xf32, #tpu.memory_space<vmem>>) offsets(%dma_start3A_240 : memref<128xi32, #tpu.memory_space<vmem>>) semaphore(%arg11 : memref<!tpu.dma_semaphore, #tpu.memory_space<semaphore_mem>>)
      %dma_start3A_244 = arith.constant 0 : i32
      %dma_start3A_245 = arith.constant 1 : i32
      %dma_start3A_246 = arith.constant 0 : i32
      %dma_start3A_247 = arith.constant 1 : i32
      %dma_start3A_248 = arith.constant 128 : i32
      %dma_start3A_249 = arith.constant 0 : i32
      %dma_start3A_250 = tpu.memref_slice %arg6[%dma_start3A_246, %dma_start3A_247, %dma_start3A_248, %dma_start3A_249] : memref<4x2x200x32xf32, #tpu.memory_space<vmem>> -> memref<1x1x72x32xf32, #tpu.memory_space<vmem>>
      %dma_start3A_251 = tpu.memref_squeeze %dma_start3A_250 : memref<1x1x72x32xf32, #tpu.memory_space<vmem>> -> memref<72x32xf32, #tpu.memory_space<vmem>>
      %dma_start3A_252 = arith.constant 128 : i32
      %dma_start3A_253 = tpu.memref_slice %arg5[%dma_start3A_244, %dma_start3A_245, %dma_start3A_252] : memref<4x2x200xi32, #tpu.memory_space<vmem>> -> memref<1x1x72xi32, #tpu.memory_space<vmem>>
      %dma_start3A_254 = tpu.memref_squeeze %dma_start3A_253 : memref<1x1x72xi32, #tpu.memory_space<vmem>> -> memref<72xi32, #tpu.memory_space<vmem>>
      %dma_start3A_255 = arith.constant 0 : i32
      %dma_start3A_256 = arith.constant 0 : i32
      %dma_start3A_257 = tpu.memref_slice %arg3[%dma_start3A_255, %dma_start3A_256] : memref<100000x32xf32, #tpu.memory_space<hbm>> -> memref<100000x32xf32, #tpu.memory_space<hbm>>
      tpu.enqueue_indirect_dma source(%dma_start3A_257 : memref<100000x32xf32, #tpu.memory_space<hbm>>) target(%dma_start3A_251 : memref<72x32xf32, #tpu.memory_space<vmem>>) offsets(%dma_start3A_254 : memref<72xi32, #tpu.memory_space<vmem>>) semaphore(%arg11 : memref<!tpu.dma_semaphore, #tpu.memory_space<semaphore_mem>>)
      %gt3A_258 = arith.constant 0 : i32
      %gt3A_259 = arith.cmpi sgt, %add3A_184, %gt3A_258 : i32
      %convert_element_type3A_260 = arith.extui %gt3A_259 : i1 to i32
      %cond3A_261 = arith.constant 0 : i32
      %cond3A_262 = arith.cmpi ne, %convert_element_type3A_260, %cond3A_261 : i32
      scf.if %cond3A_262 {
        %dma_wait3A_518 = arith.constant 3 : i32
        %dma_wait3A_519 = arith.constant 0 : i32
        %dma_wait3A_520 = arith.constant 0 : i32
        %dma_wait3A_521 = arith.constant 0 : i32
        %dma_wait3A_522 = tpu.memref_slice %arg6[%dma_wait3A_518, %dma_wait3A_519, %dma_wait3A_520, %dma_wait3A_521] : memref<4x2x200x32xf32, #tpu.memory_space<vmem>> -> memref<1x2x200x32xf32, #tpu.memory_space<vmem>>
        %dma_wait3A_523 = tpu.memref_squeeze %dma_wait3A_522 : memref<1x2x200x32xf32, #tpu.memory_space<vmem>> -> memref<2x200x32xf32, #tpu.memory_space<vmem>>
        %dma_wait3A_524 = arith.constant 0 : i32
        %dma_wait3A_525 = arith.constant 0 : i32
        %dma_wait3A_526 = arith.constant 0 : i32
        %dma_wait3A_527 = tpu.memref_slice %arg4[%dma_wait3A_524, %dma_wait3A_525, %dma_wait3A_526] : memref<16384x200x32xf32, #tpu.memory_space<hbm>> -> memref<2x200x32xf32, #tpu.memory_space<hbm>>
        %dma_wait3A_528 = arith.constant 0 : i32
        %dma_wait3A_529 = arith.constant 0 : i32
        %dma_wait3A_530 = arith.constant 0 : i32
        %dma_wait3A_531 = tpu.memref_slice %arg6[%dma_wait3A_518, %dma_wait3A_528, %dma_wait3A_529, %dma_wait3A_530] : memref<4x2x200x32xf32, #tpu.memory_space<vmem>> -> memref<1x2x200x32xf32, #tpu.memory_space<vmem>>
        %dma_wait3A_532 = tpu.memref_squeeze %dma_wait3A_531 : memref<1x2x200x32xf32, #tpu.memory_space<vmem>> -> memref<2x200x32xf32, #tpu.memory_space<vmem>>
        %dma_wait3A_533 = arith.constant 0 : i32
        %dma_wait3A_534 = arith.constant 0 : i32
        %dma_wait3A_535 = arith.constant 0 : i32
        %dma_wait3A_536 = tpu.memref_slice %arg4[%dma_wait3A_533, %dma_wait3A_534, %dma_wait3A_535] : memref<16384x200x32xf32, #tpu.memory_space<hbm>> -> memref<2x200x32xf32, #tpu.memory_space<hbm>>
        tpu.wait_dma2 semaphore(%arg14 : memref<!tpu.dma_semaphore, #tpu.memory_space<semaphore_mem>>) src(%dma_wait3A_536 : memref<2x200x32xf32, #tpu.memory_space<hbm>>) dst(%dma_wait3A_532 : memref<2x200x32xf32, #tpu.memory_space<vmem>>)
        %sub3A = arith.constant 1 : i32
        %sub3A_537 = arith.subi %add3A_184, %sub3A : i32
        %mul3A_538 = arith.constant 2 : i32
        %mul3A_539 = arith.muli %sub3A_537, %mul3A_538 : i32
        %add3A_540 = arith.addi %mul3A_2, %mul3A_539 : i32
        %dma_start3A_541 = arith.constant 3 : i32
        %dma_start3A_542 = arith.constant 0 : i32
        %dma_start3A_543 = arith.constant 0 : i32
        %dma_start3A_544 = arith.constant 0 : i32
        %dma_start3A_545 = tpu.memref_slice %arg6[%dma_start3A_541, %dma_start3A_542, %dma_start3A_543, %dma_start3A_544] : memref<4x2x200x32xf32, #tpu.memory_space<vmem>> -> memref<1x2x200x32xf32, #tpu.memory_space<vmem>>
        %dma_start3A_546 = tpu.memref_squeeze %dma_start3A_545 : memref<1x2x200x32xf32, #tpu.memory_space<vmem>> -> memref<2x200x32xf32, #tpu.memory_space<vmem>>
        %dma_start3A_547 = arith.constant 0 : i32
        %dma_start3A_548 = arith.constant 0 : i32
        %dma_start3A_549 = tpu.memref_slice %arg4[%add3A_540, %dma_start3A_547, %dma_start3A_548] : memref<16384x200x32xf32, #tpu.memory_space<hbm>> -> memref<2x200x32xf32, #tpu.memory_space<hbm>>
        %dma_start3A_550 = arith.constant 0 : i32
        %dma_start3A_551 = arith.constant 0 : i32
        %dma_start3A_552 = tpu.memref_slice %arg4[%add3A_540, %dma_start3A_550, %dma_start3A_551] : memref<16384x200x32xf32, #tpu.memory_space<hbm>> -> memref<2x200x32xf32, #tpu.memory_space<hbm>>
        %dma_start3A_553 = arith.constant 0 : i32
        %dma_start3A_554 = arith.constant 0 : i32
        %dma_start3A_555 = arith.constant 0 : i32
        %dma_start3A_556 = tpu.memref_slice %arg6[%dma_start3A_541, %dma_start3A_553, %dma_start3A_554, %dma_start3A_555] : memref<4x2x200x32xf32, #tpu.memory_space<vmem>> -> memref<1x2x200x32xf32, #tpu.memory_space<vmem>>
        %dma_start3A_557 = tpu.memref_squeeze %dma_start3A_556 : memref<1x2x200x32xf32, #tpu.memory_space<vmem>> -> memref<2x200x32xf32, #tpu.memory_space<vmem>>
        tpu.enqueue_dma source(%dma_start3A_557 : memref<2x200x32xf32, #tpu.memory_space<vmem>>) target(%dma_start3A_552 : memref<2x200x32xf32, #tpu.memory_space<hbm>>) target_semaphore(%arg18 : memref<!tpu.dma_semaphore, #tpu.memory_space<semaphore_mem>>)
        %sub3A_558 = arith.constant 1 : i32
        %sub3A_559 = arith.subi %add3A_184, %sub3A_558 : i32
        %add3A_560 = arith.constant 4 : i32
        %add3A_561 = arith.addi %sub3A_559, %add3A_560 : i32
        %lt3A = arith.constant 256 : i32
        %lt3A_562 = arith.cmpi slt, %add3A_561, %lt3A : i32
        %convert_element_type3A_563 = arith.extui %lt3A_562 : i1 to i32
        %cond3A_564 = arith.constant 0 : i32
        %cond3A_565 = arith.cmpi ne, %convert_element_type3A_563, %cond3A_564 : i32
        scf.if %cond3A_565 {
          %sub3A_566 = arith.constant 1 : i32
          %sub3A_567 = arith.subi %add3A_184, %sub3A_566 : i32
          %add3A_568 = arith.constant 4 : i32
          %add3A_569 = arith.addi %sub3A_567, %add3A_568 : i32
          %mul3A_570 = arith.constant 2 : i32
          %mul3A_571 = arith.muli %add3A_569, %mul3A_570 : i32
          %add3A_572 = arith.addi %mul3A_2, %mul3A_571 : i32
          %dma_start3A_573 = arith.constant 3 : i32
          %dma_start3A_574 = arith.constant 0 : i32
          %dma_start3A_575 = arith.constant 0 : i32
          %dma_start3A_576 = tpu.memref_slice %arg5[%dma_start3A_573, %dma_start3A_574, %dma_start3A_575] : memref<4x2x200xi32, #tpu.memory_space<vmem>> -> memref<1x2x200xi32, #tpu.memory_space<vmem>>
          %dma_start3A_577 = tpu.memref_squeeze %dma_start3A_576 : memref<1x2x200xi32, #tpu.memory_space<vmem>> -> memref<2x200xi32, #tpu.memory_space<vmem>>
          %dma_start3A_578 = arith.constant 0 : i32
          %dma_start3A_579 = tpu.memref_slice %arg2[%add3A_572, %dma_start3A_578] : memref<16384x200xi32, #tpu.memory_space<hbm>> -> memref<2x200xi32, #tpu.memory_space<hbm>>
          %dma_start3A_580 = arith.constant 0 : i32
          %dma_start3A_581 = arith.constant 0 : i32
          %dma_start3A_582 = tpu.memref_slice %arg5[%dma_start3A_573, %dma_start3A_580, %dma_start3A_581] : memref<4x2x200xi32, #tpu.memory_space<vmem>> -> memref<1x2x200xi32, #tpu.memory_space<vmem>>
          %dma_start3A_583 = tpu.memref_squeeze %dma_start3A_582 : memref<1x2x200xi32, #tpu.memory_space<vmem>> -> memref<2x200xi32, #tpu.memory_space<vmem>>
          %dma_start3A_584 = arith.constant 0 : i32
          %dma_start3A_585 = tpu.memref_slice %arg2[%add3A_572, %dma_start3A_584] : memref<16384x200xi32, #tpu.memory_space<hbm>> -> memref<2x200xi32, #tpu.memory_space<hbm>>
          tpu.enqueue_dma source(%dma_start3A_585 : memref<2x200xi32, #tpu.memory_space<hbm>>) target(%dma_start3A_583 : memref<2x200xi32, #tpu.memory_space<vmem>>) target_semaphore(%arg10 : memref<!tpu.dma_semaphore, #tpu.memory_space<semaphore_mem>>)
        } else {
        }
      } else {
      }
      %mul3A_263 = arith.constant 4 : i32
      %mul3A_264 = arith.muli %scan3A_180, %mul3A_263 : i32
      %add3A_265 = arith.constant 1 : i32
      %add3A_266 = arith.addi %mul3A_264, %add3A_265 : i32
      %dma_wait3A_267 = arith.constant 1 : i32
      %dma_wait3A_268 = arith.constant 0 : i32
      %dma_wait3A_269 = arith.constant 0 : i32
      %dma_wait3A_270 = tpu.memref_slice %arg5[%dma_wait3A_267, %dma_wait3A_268, %dma_wait3A_269] : memref<4x2x200xi32, #tpu.memory_space<vmem>> -> memref<1x2x200xi32, #tpu.memory_space<vmem>>
      %dma_wait3A_271 = tpu.memref_squeeze %dma_wait3A_270 : memref<1x2x200xi32, #tpu.memory_space<vmem>> -> memref<2x200xi32, #tpu.memory_space<vmem>>
      %dma_wait3A_272 = arith.constant 0 : i32
      %dma_wait3A_273 = arith.constant 0 : i32
      %dma_wait3A_274 = tpu.memref_slice %arg2[%dma_wait3A_272, %dma_wait3A_273] : memref<16384x200xi32, #tpu.memory_space<hbm>> -> memref<2x200xi32, #tpu.memory_space<hbm>>
      %dma_wait3A_275 = arith.constant 0 : i32
      %dma_wait3A_276 = arith.constant 0 : i32
      %dma_wait3A_277 = tpu.memref_slice %arg5[%dma_wait3A_267, %dma_wait3A_275, %dma_wait3A_276] : memref<4x2x200xi32, #tpu.memory_space<vmem>> -> memref<1x2x200xi32, #tpu.memory_space<vmem>>
      %dma_wait3A_278 = tpu.memref_squeeze %dma_wait3A_277 : memref<1x2x200xi32, #tpu.memory_space<vmem>> -> memref<2x200xi32, #tpu.memory_space<vmem>>
      %dma_wait3A_279 = arith.constant 0 : i32
      %dma_wait3A_280 = arith.constant 0 : i32
      %dma_wait3A_281 = tpu.memref_slice %arg2[%dma_wait3A_279, %dma_wait3A_280] : memref<16384x200xi32, #tpu.memory_space<hbm>> -> memref<2x200xi32, #tpu.memory_space<hbm>>
      tpu.wait_dma2 semaphore(%arg8 : memref<!tpu.dma_semaphore, #tpu.memory_space<semaphore_mem>>) src(%dma_wait3A_281 : memref<2x200xi32, #tpu.memory_space<hbm>>) dst(%dma_wait3A_278 : memref<2x200xi32, #tpu.memory_space<vmem>>)
      %gt3A_282 = arith.constant 0 : i32
      %gt3A_283 = arith.cmpi sgt, %scan3A_180, %gt3A_282 : i32
      %convert_element_type3A_284 = arith.extui %gt3A_283 : i1 to i32
      %cond3A_285 = arith.constant 0 : i32
      %cond3A_286 = arith.cmpi ne, %convert_element_type3A_284, %cond3A_285 : i32
      scf.if %cond3A_286 {
        %dma_wait3A_518 = arith.constant 1 : i32
        %dma_wait3A_519 = arith.constant 0 : i32
        %dma_wait3A_520 = arith.constant 0 : i32
        %dma_wait3A_521 = arith.constant 0 : i32
        %dma_wait3A_522 = tpu.memref_slice %arg6[%dma_wait3A_518, %dma_wait3A_519, %dma_wait3A_520, %dma_wait3A_521] : memref<4x2x200x32xf32, #tpu.memory_space<vmem>> -> memref<1x2x200x32xf32, #tpu.memory_space<vmem>>
        %dma_wait3A_523 = tpu.memref_squeeze %dma_wait3A_522 : memref<1x2x200x32xf32, #tpu.memory_space<vmem>> -> memref<2x200x32xf32, #tpu.memory_space<vmem>>
        %dma_wait3A_524 = arith.constant 0 : i32
        %dma_wait3A_525 = arith.constant 0 : i32
        %dma_wait3A_526 = arith.constant 0 : i32
        %dma_wait3A_527 = tpu.memref_slice %arg4[%dma_wait3A_524, %dma_wait3A_525, %dma_wait3A_526] : memref<16384x200x32xf32, #tpu.memory_space<hbm>> -> memref<2x200x32xf32, #tpu.memory_space<hbm>>
        %dma_wait3A_528 = arith.constant 0 : i32
        %dma_wait3A_529 = arith.constant 0 : i32
        %dma_wait3A_530 = arith.constant 0 : i32
        %dma_wait3A_531 = tpu.memref_slice %arg4[%dma_wait3A_528, %dma_wait3A_529, %dma_wait3A_530] : memref<16384x200x32xf32, #tpu.memory_space<hbm>> -> memref<2x200x32xf32, #tpu.memory_space<hbm>>
        %dma_wait3A_532 = arith.constant 0 : i32
        %dma_wait3A_533 = arith.constant 0 : i32
        %dma_wait3A_534 = arith.constant 0 : i32
        %dma_wait3A_535 = tpu.memref_slice %arg6[%dma_wait3A_518, %dma_wait3A_532, %dma_wait3A_533, %dma_wait3A_534] : memref<4x2x200x32xf32, #tpu.memory_space<vmem>> -> memref<1x2x200x32xf32, #tpu.memory_space<vmem>>
        %dma_wait3A_536 = tpu.memref_squeeze %dma_wait3A_535 : memref<1x2x200x32xf32, #tpu.memory_space<vmem>> -> memref<2x200x32xf32, #tpu.memory_space<vmem>>
        tpu.wait_dma2 semaphore(%arg16 : memref<!tpu.dma_semaphore, #tpu.memory_space<semaphore_mem>>) src(%dma_wait3A_536 : memref<2x200x32xf32, #tpu.memory_space<vmem>>) dst(%dma_wait3A_531 : memref<2x200x32xf32, #tpu.memory_space<hbm>>)
      } else {
      }
      %dma_start3A_287 = arith.constant 1 : i32
      %dma_start3A_288 = arith.constant 0 : i32
      %dma_start3A_289 = arith.constant 1 : i32
      %dma_start3A_290 = arith.constant 0 : i32
      %dma_start3A_291 = arith.constant 0 : i32
      %dma_start3A_292 = arith.constant 0 : i32
      %dma_start3A_293 = tpu.memref_slice %arg6[%dma_start3A_289, %dma_start3A_290, %dma_start3A_291, %dma_start3A_292] : memref<4x2x200x32xf32, #tpu.memory_space<vmem>> -> memref<1x1x128x32xf32, #tpu.memory_space<vmem>>
      %dma_start3A_294 = tpu.memref_squeeze %dma_start3A_293 : memref<1x1x128x32xf32, #tpu.memory_space<vmem>> -> memref<128x32xf32, #tpu.memory_space<vmem>>
      %dma_start3A_295 = arith.constant 0 : i32
      %dma_start3A_296 = tpu.memref_slice %arg5[%dma_start3A_287, %dma_start3A_288, %dma_start3A_295] : memref<4x2x200xi32, #tpu.memory_space<vmem>> -> memref<1x1x128xi32, #tpu.memory_space<vmem>>
      %dma_start3A_297 = tpu.memref_squeeze %dma_start3A_296 : memref<1x1x128xi32, #tpu.memory_space<vmem>> -> memref<128xi32, #tpu.memory_space<vmem>>
      %dma_start3A_298 = arith.constant 0 : i32
      %dma_start3A_299 = arith.constant 0 : i32
      %dma_start3A_300 = tpu.memref_slice %arg3[%dma_start3A_298, %dma_start3A_299] : memref<100000x32xf32, #tpu.memory_space<hbm>> -> memref<100000x32xf32, #tpu.memory_space<hbm>>
      tpu.enqueue_indirect_dma source(%dma_start3A_300 : memref<100000x32xf32, #tpu.memory_space<hbm>>) target(%dma_start3A_294 : memref<128x32xf32, #tpu.memory_space<vmem>>) offsets(%dma_start3A_297 : memref<128xi32, #tpu.memory_space<vmem>>) semaphore(%arg12 : memref<!tpu.dma_semaphore, #tpu.memory_space<semaphore_mem>>)
      %dma_start3A_301 = arith.constant 1 : i32
      %dma_start3A_302 = arith.constant 0 : i32
      %dma_start3A_303 = arith.constant 1 : i32
      %dma_start3A_304 = arith.constant 0 : i32
      %dma_start3A_305 = arith.constant 128 : i32
      %dma_start3A_306 = arith.constant 0 : i32
      %dma_start3A_307 = tpu.memref_slice %arg6[%dma_start3A_303, %dma_start3A_304, %dma_start3A_305, %dma_start3A_306] : memref<4x2x200x32xf32, #tpu.memory_space<vmem>> -> memref<1x1x72x32xf32, #tpu.memory_space<vmem>>
      %dma_start3A_308 = tpu.memref_squeeze %dma_start3A_307 : memref<1x1x72x32xf32, #tpu.memory_space<vmem>> -> memref<72x32xf32, #tpu.memory_space<vmem>>
      %dma_start3A_309 = arith.constant 128 : i32
      %dma_start3A_310 = tpu.memref_slice %arg5[%dma_start3A_301, %dma_start3A_302, %dma_start3A_309] : memref<4x2x200xi32, #tpu.memory_space<vmem>> -> memref<1x1x72xi32, #tpu.memory_space<vmem>>
      %dma_start3A_311 = tpu.memref_squeeze %dma_start3A_310 : memref<1x1x72xi32, #tpu.memory_space<vmem>> -> memref<72xi32, #tpu.memory_space<vmem>>
      %dma_start3A_312 = arith.constant 0 : i32
      %dma_start3A_313 = arith.constant 0 : i32
      %dma_start3A_314 = tpu.memref_slice %arg3[%dma_start3A_312, %dma_start3A_313] : memref<100000x32xf32, #tpu.memory_space<hbm>> -> memref<100000x32xf32, #tpu.memory_space<hbm>>
      tpu.enqueue_indirect_dma source(%dma_start3A_314 : memref<100000x32xf32, #tpu.memory_space<hbm>>) target(%dma_start3A_308 : memref<72x32xf32, #tpu.memory_space<vmem>>) offsets(%dma_start3A_311 : memref<72xi32, #tpu.memory_space<vmem>>) semaphore(%arg12 : memref<!tpu.dma_semaphore, #tpu.memory_space<semaphore_mem>>)
      %dma_start3A_315 = arith.constant 1 : i32
      %dma_start3A_316 = arith.constant 1 : i32
      %dma_start3A_317 = arith.constant 1 : i32
      %dma_start3A_318 = arith.constant 1 : i32
      %dma_start3A_319 = arith.constant 0 : i32
      %dma_start3A_320 = arith.constant 0 : i32
      %dma_start3A_321 = tpu.memref_slice %arg6[%dma_start3A_317, %dma_start3A_318, %dma_start3A_319, %dma_start3A_320] : memref<4x2x200x32xf32, #tpu.memory_space<vmem>> -> memref<1x1x128x32xf32, #tpu.memory_space<vmem>>
      %dma_start3A_322 = tpu.memref_squeeze %dma_start3A_321 : memref<1x1x128x32xf32, #tpu.memory_space<vmem>> -> memref<128x32xf32, #tpu.memory_space<vmem>>
      %dma_start3A_323 = arith.constant 0 : i32
      %dma_start3A_324 = tpu.memref_slice %arg5[%dma_start3A_315, %dma_start3A_316, %dma_start3A_323] : memref<4x2x200xi32, #tpu.memory_space<vmem>> -> memref<1x1x128xi32, #tpu.memory_space<vmem>>
      %dma_start3A_325 = tpu.memref_squeeze %dma_start3A_324 : memref<1x1x128xi32, #tpu.memory_space<vmem>> -> memref<128xi32, #tpu.memory_space<vmem>>
      %dma_start3A_326 = arith.constant 0 : i32
      %dma_start3A_327 = arith.constant 0 : i32
      %dma_start3A_328 = tpu.memref_slice %arg3[%dma_start3A_326, %dma_start3A_327] : memref<100000x32xf32, #tpu.memory_space<hbm>> -> memref<100000x32xf32, #tpu.memory_space<hbm>>
      tpu.enqueue_indirect_dma source(%dma_start3A_328 : memref<100000x32xf32, #tpu.memory_space<hbm>>) target(%dma_start3A_322 : memref<128x32xf32, #tpu.memory_space<vmem>>) offsets(%dma_start3A_325 : memref<128xi32, #tpu.memory_space<vmem>>) semaphore(%arg12 : memref<!tpu.dma_semaphore, #tpu.memory_space<semaphore_mem>>)
      %dma_start3A_329 = arith.constant 1 : i32
      %dma_start3A_330 = arith.constant 1 : i32
      %dma_start3A_331 = arith.constant 1 : i32
      %dma_start3A_332 = arith.constant 1 : i32
      %dma_start3A_333 = arith.constant 128 : i32
      %dma_start3A_334 = arith.constant 0 : i32
      %dma_start3A_335 = tpu.memref_slice %arg6[%dma_start3A_331, %dma_start3A_332, %dma_start3A_333, %dma_start3A_334] : memref<4x2x200x32xf32, #tpu.memory_space<vmem>> -> memref<1x1x72x32xf32, #tpu.memory_space<vmem>>
      %dma_start3A_336 = tpu.memref_squeeze %dma_start3A_335 : memref<1x1x72x32xf32, #tpu.memory_space<vmem>> -> memref<72x32xf32, #tpu.memory_space<vmem>>
      %dma_start3A_337 = arith.constant 128 : i32
      %dma_start3A_338 = tpu.memref_slice %arg5[%dma_start3A_329, %dma_start3A_330, %dma_start3A_337] : memref<4x2x200xi32, #tpu.memory_space<vmem>> -> memref<1x1x72xi32, #tpu.memory_space<vmem>>
      %dma_start3A_339 = tpu.memref_squeeze %dma_start3A_338 : memref<1x1x72xi32, #tpu.memory_space<vmem>> -> memref<72xi32, #tpu.memory_space<vmem>>
      %dma_start3A_340 = arith.constant 0 : i32
      %dma_start3A_341 = arith.constant 0 : i32
      %dma_start3A_342 = tpu.memref_slice %arg3[%dma_start3A_340, %dma_start3A_341] : memref<100000x32xf32, #tpu.memory_space<hbm>> -> memref<100000x32xf32, #tpu.memory_space<hbm>>
      tpu.enqueue_indirect_dma source(%dma_start3A_342 : memref<100000x32xf32, #tpu.memory_space<hbm>>) target(%dma_start3A_336 : memref<72x32xf32, #tpu.memory_space<vmem>>) offsets(%dma_start3A_339 : memref<72xi32, #tpu.memory_space<vmem>>) semaphore(%arg12 : memref<!tpu.dma_semaphore, #tpu.memory_space<semaphore_mem>>)
      %gt3A_343 = arith.constant 0 : i32
      %gt3A_344 = arith.cmpi sgt, %add3A_266, %gt3A_343 : i32
      %convert_element_type3A_345 = arith.extui %gt3A_344 : i1 to i32
      %cond3A_346 = arith.constant 0 : i32
      %cond3A_347 = arith.cmpi ne, %convert_element_type3A_345, %cond3A_346 : i32
      scf.if %cond3A_347 {
        %dma_wait3A_518 = arith.constant 0 : i32
        %dma_wait3A_519 = arith.constant 0 : i32
        %dma_wait3A_520 = arith.constant 0 : i32
        %dma_wait3A_521 = arith.constant 0 : i32
        %dma_wait3A_522 = tpu.memref_slice %arg6[%dma_wait3A_518, %dma_wait3A_519, %dma_wait3A_520, %dma_wait3A_521] : memref<4x2x200x32xf32, #tpu.memory_space<vmem>> -> memref<1x2x200x32xf32, #tpu.memory_space<vmem>>
        %dma_wait3A_523 = tpu.memref_squeeze %dma_wait3A_522 : memref<1x2x200x32xf32, #tpu.memory_space<vmem>> -> memref<2x200x32xf32, #tpu.memory_space<vmem>>
        %dma_wait3A_524 = arith.constant 0 : i32
        %dma_wait3A_525 = arith.constant 0 : i32
        %dma_wait3A_526 = arith.constant 0 : i32
        %dma_wait3A_527 = tpu.memref_slice %arg4[%dma_wait3A_524, %dma_wait3A_525, %dma_wait3A_526] : memref<16384x200x32xf32, #tpu.memory_space<hbm>> -> memref<2x200x32xf32, #tpu.memory_space<hbm>>
        %dma_wait3A_528 = arith.constant 0 : i32
        %dma_wait3A_529 = arith.constant 0 : i32
        %dma_wait3A_530 = arith.constant 0 : i32
        %dma_wait3A_531 = tpu.memref_slice %arg6[%dma_wait3A_518, %dma_wait3A_528, %dma_wait3A_529, %dma_wait3A_530] : memref<4x2x200x32xf32, #tpu.memory_space<vmem>> -> memref<1x2x200x32xf32, #tpu.memory_space<vmem>>
        %dma_wait3A_532 = tpu.memref_squeeze %dma_wait3A_531 : memref<1x2x200x32xf32, #tpu.memory_space<vmem>> -> memref<2x200x32xf32, #tpu.memory_space<vmem>>
        %dma_wait3A_533 = arith.constant 0 : i32
        %dma_wait3A_534 = arith.constant 0 : i32
        %dma_wait3A_535 = arith.constant 0 : i32
        %dma_wait3A_536 = tpu.memref_slice %arg4[%dma_wait3A_533, %dma_wait3A_534, %dma_wait3A_535] : memref<16384x200x32xf32, #tpu.memory_space<hbm>> -> memref<2x200x32xf32, #tpu.memory_space<hbm>>
        tpu.wait_dma2 semaphore(%arg11 : memref<!tpu.dma_semaphore, #tpu.memory_space<semaphore_mem>>) src(%dma_wait3A_536 : memref<2x200x32xf32, #tpu.memory_space<hbm>>) dst(%dma_wait3A_532 : memref<2x200x32xf32, #tpu.memory_space<vmem>>)
        %sub3A = arith.constant 1 : i32
        %sub3A_537 = arith.subi %add3A_266, %sub3A : i32
        %mul3A_538 = arith.constant 2 : i32
        %mul3A_539 = arith.muli %sub3A_537, %mul3A_538 : i32
        %add3A_540 = arith.addi %mul3A_2, %mul3A_539 : i32
        %dma_start3A_541 = arith.constant 0 : i32
        %dma_start3A_542 = arith.constant 0 : i32
        %dma_start3A_543 = arith.constant 0 : i32
        %dma_start3A_544 = arith.constant 0 : i32
        %dma_start3A_545 = tpu.memref_slice %arg6[%dma_start3A_541, %dma_start3A_542, %dma_start3A_543, %dma_start3A_544] : memref<4x2x200x32xf32, #tpu.memory_space<vmem>> -> memref<1x2x200x32xf32, #tpu.memory_space<vmem>>
        %dma_start3A_546 = tpu.memref_squeeze %dma_start3A_545 : memref<1x2x200x32xf32, #tpu.memory_space<vmem>> -> memref<2x200x32xf32, #tpu.memory_space<vmem>>
        %dma_start3A_547 = arith.constant 0 : i32
        %dma_start3A_548 = arith.constant 0 : i32
        %dma_start3A_549 = tpu.memref_slice %arg4[%add3A_540, %dma_start3A_547, %dma_start3A_548] : memref<16384x200x32xf32, #tpu.memory_space<hbm>> -> memref<2x200x32xf32, #tpu.memory_space<hbm>>
        %dma_start3A_550 = arith.constant 0 : i32
        %dma_start3A_551 = arith.constant 0 : i32
        %dma_start3A_552 = tpu.memref_slice %arg4[%add3A_540, %dma_start3A_550, %dma_start3A_551] : memref<16384x200x32xf32, #tpu.memory_space<hbm>> -> memref<2x200x32xf32, #tpu.memory_space<hbm>>
        %dma_start3A_553 = arith.constant 0 : i32
        %dma_start3A_554 = arith.constant 0 : i32
        %dma_start3A_555 = arith.constant 0 : i32
        %dma_start3A_556 = tpu.memref_slice %arg6[%dma_start3A_541, %dma_start3A_553, %dma_start3A_554, %dma_start3A_555] : memref<4x2x200x32xf32, #tpu.memory_space<vmem>> -> memref<1x2x200x32xf32, #tpu.memory_space<vmem>>
        %dma_start3A_557 = tpu.memref_squeeze %dma_start3A_556 : memref<1x2x200x32xf32, #tpu.memory_space<vmem>> -> memref<2x200x32xf32, #tpu.memory_space<vmem>>
        tpu.enqueue_dma source(%dma_start3A_557 : memref<2x200x32xf32, #tpu.memory_space<vmem>>) target(%dma_start3A_552 : memref<2x200x32xf32, #tpu.memory_space<hbm>>) target_semaphore(%arg15 : memref<!tpu.dma_semaphore, #tpu.memory_space<semaphore_mem>>)
        %sub3A_558 = arith.constant 1 : i32
        %sub3A_559 = arith.subi %add3A_266, %sub3A_558 : i32
        %add3A_560 = arith.constant 4 : i32
        %add3A_561 = arith.addi %sub3A_559, %add3A_560 : i32
        %lt3A = arith.constant 256 : i32
        %lt3A_562 = arith.cmpi slt, %add3A_561, %lt3A : i32
        %convert_element_type3A_563 = arith.extui %lt3A_562 : i1 to i32
        %cond3A_564 = arith.constant 0 : i32
        %cond3A_565 = arith.cmpi ne, %convert_element_type3A_563, %cond3A_564 : i32
        scf.if %cond3A_565 {
          %sub3A_566 = arith.constant 1 : i32
          %sub3A_567 = arith.subi %add3A_266, %sub3A_566 : i32
          %add3A_568 = arith.constant 4 : i32
          %add3A_569 = arith.addi %sub3A_567, %add3A_568 : i32
          %mul3A_570 = arith.constant 2 : i32
          %mul3A_571 = arith.muli %add3A_569, %mul3A_570 : i32
          %add3A_572 = arith.addi %mul3A_2, %mul3A_571 : i32
          %dma_start3A_573 = arith.constant 0 : i32
          %dma_start3A_574 = arith.constant 0 : i32
          %dma_start3A_575 = arith.constant 0 : i32
          %dma_start3A_576 = tpu.memref_slice %arg5[%dma_start3A_573, %dma_start3A_574, %dma_start3A_575] : memref<4x2x200xi32, #tpu.memory_space<vmem>> -> memref<1x2x200xi32, #tpu.memory_space<vmem>>
          %dma_start3A_577 = tpu.memref_squeeze %dma_start3A_576 : memref<1x2x200xi32, #tpu.memory_space<vmem>> -> memref<2x200xi32, #tpu.memory_space<vmem>>
          %dma_start3A_578 = arith.constant 0 : i32
          %dma_start3A_579 = tpu.memref_slice %arg2[%add3A_572, %dma_start3A_578] : memref<16384x200xi32, #tpu.memory_space<hbm>> -> memref<2x200xi32, #tpu.memory_space<hbm>>
          %dma_start3A_580 = arith.constant 0 : i32
          %dma_start3A_581 = arith.constant 0 : i32
          %dma_start3A_582 = tpu.memref_slice %arg5[%dma_start3A_573, %dma_start3A_580, %dma_start3A_581] : memref<4x2x200xi32, #tpu.memory_space<vmem>> -> memref<1x2x200xi32, #tpu.memory_space<vmem>>
          %dma_start3A_583 = tpu.memref_squeeze %dma_start3A_582 : memref<1x2x200xi32, #tpu.memory_space<vmem>> -> memref<2x200xi32, #tpu.memory_space<vmem>>
          %dma_start3A_584 = arith.constant 0 : i32
          %dma_start3A_585 = tpu.memref_slice %arg2[%add3A_572, %dma_start3A_584] : memref<16384x200xi32, #tpu.memory_space<hbm>> -> memref<2x200xi32, #tpu.memory_space<hbm>>
          tpu.enqueue_dma source(%dma_start3A_585 : memref<2x200xi32, #tpu.memory_space<hbm>>) target(%dma_start3A_583 : memref<2x200xi32, #tpu.memory_space<vmem>>) target_semaphore(%arg7 : memref<!tpu.dma_semaphore, #tpu.memory_space<semaphore_mem>>)
        } else {
        }
      } else {
      }
      %mul3A_348 = arith.constant 4 : i32
      %mul3A_349 = arith.muli %scan3A_180, %mul3A_348 : i32
      %add3A_350 = arith.constant 2 : i32
      %add3A_351 = arith.addi %mul3A_349, %add3A_350 : i32
      %dma_wait3A_352 = arith.constant 2 : i32
      %dma_wait3A_353 = arith.constant 0 : i32
      %dma_wait3A_354 = arith.constant 0 : i32
      %dma_wait3A_355 = tpu.memref_slice %arg5[%dma_wait3A_352, %dma_wait3A_353, %dma_wait3A_354] : memref<4x2x200xi32, #tpu.memory_space<vmem>> -> memref<1x2x200xi32, #tpu.memory_space<vmem>>
      %dma_wait3A_356 = tpu.memref_squeeze %dma_wait3A_355 : memref<1x2x200xi32, #tpu.memory_space<vmem>> -> memref<2x200xi32, #tpu.memory_space<vmem>>
      %dma_wait3A_357 = arith.constant 0 : i32
      %dma_wait3A_358 = arith.constant 0 : i32
      %dma_wait3A_359 = tpu.memref_slice %arg2[%dma_wait3A_357, %dma_wait3A_358] : memref<16384x200xi32, #tpu.memory_space<hbm>> -> memref<2x200xi32, #tpu.memory_space<hbm>>
      %dma_wait3A_360 = arith.constant 0 : i32
      %dma_wait3A_361 = arith.constant 0 : i32
      %dma_wait3A_362 = tpu.memref_slice %arg5[%dma_wait3A_352, %dma_wait3A_360, %dma_wait3A_361] : memref<4x2x200xi32, #tpu.memory_space<vmem>> -> memref<1x2x200xi32, #tpu.memory_space<vmem>>
      %dma_wait3A_363 = tpu.memref_squeeze %dma_wait3A_362 : memref<1x2x200xi32, #tpu.memory_space<vmem>> -> memref<2x200xi32, #tpu.memory_space<vmem>>
      %dma_wait3A_364 = arith.constant 0 : i32
      %dma_wait3A_365 = arith.constant 0 : i32
      %dma_wait3A_366 = tpu.memref_slice %arg2[%dma_wait3A_364, %dma_wait3A_365] : memref<16384x200xi32, #tpu.memory_space<hbm>> -> memref<2x200xi32, #tpu.memory_space<hbm>>
      tpu.wait_dma2 semaphore(%arg9 : memref<!tpu.dma_semaphore, #tpu.memory_space<semaphore_mem>>) src(%dma_wait3A_366 : memref<2x200xi32, #tpu.memory_space<hbm>>) dst(%dma_wait3A_363 : memref<2x200xi32, #tpu.memory_space<vmem>>)
      %gt3A_367 = arith.constant 0 : i32
      %gt3A_368 = arith.cmpi sgt, %scan3A_180, %gt3A_367 : i32
      %convert_element_type3A_369 = arith.extui %gt3A_368 : i1 to i32
      %cond3A_370 = arith.constant 0 : i32
      %cond3A_371 = arith.cmpi ne, %convert_element_type3A_369, %cond3A_370 : i32
      scf.if %cond3A_371 {
        %dma_wait3A_518 = arith.constant 2 : i32
        %dma_wait3A_519 = arith.constant 0 : i32
        %dma_wait3A_520 = arith.constant 0 : i32
        %dma_wait3A_521 = arith.constant 0 : i32
        %dma_wait3A_522 = tpu.memref_slice %arg6[%dma_wait3A_518, %dma_wait3A_519, %dma_wait3A_520, %dma_wait3A_521] : memref<4x2x200x32xf32, #tpu.memory_space<vmem>> -> memref<1x2x200x32xf32, #tpu.memory_space<vmem>>
        %dma_wait3A_523 = tpu.memref_squeeze %dma_wait3A_522 : memref<1x2x200x32xf32, #tpu.memory_space<vmem>> -> memref<2x200x32xf32, #tpu.memory_space<vmem>>
        %dma_wait3A_524 = arith.constant 0 : i32
        %dma_wait3A_525 = arith.constant 0 : i32
        %dma_wait3A_526 = arith.constant 0 : i32
        %dma_wait3A_527 = tpu.memref_slice %arg4[%dma_wait3A_524, %dma_wait3A_525, %dma_wait3A_526] : memref<16384x200x32xf32, #tpu.memory_space<hbm>> -> memref<2x200x32xf32, #tpu.memory_space<hbm>>
        %dma_wait3A_528 = arith.constant 0 : i32
        %dma_wait3A_529 = arith.constant 0 : i32
        %dma_wait3A_530 = arith.constant 0 : i32
        %dma_wait3A_531 = tpu.memref_slice %arg4[%dma_wait3A_528, %dma_wait3A_529, %dma_wait3A_530] : memref<16384x200x32xf32, #tpu.memory_space<hbm>> -> memref<2x200x32xf32, #tpu.memory_space<hbm>>
        %dma_wait3A_532 = arith.constant 0 : i32
        %dma_wait3A_533 = arith.constant 0 : i32
        %dma_wait3A_534 = arith.constant 0 : i32
        %dma_wait3A_535 = tpu.memref_slice %arg6[%dma_wait3A_518, %dma_wait3A_532, %dma_wait3A_533, %dma_wait3A_534] : memref<4x2x200x32xf32, #tpu.memory_space<vmem>> -> memref<1x2x200x32xf32, #tpu.memory_space<vmem>>
        %dma_wait3A_536 = tpu.memref_squeeze %dma_wait3A_535 : memref<1x2x200x32xf32, #tpu.memory_space<vmem>> -> memref<2x200x32xf32, #tpu.memory_space<vmem>>
        tpu.wait_dma2 semaphore(%arg17 : memref<!tpu.dma_semaphore, #tpu.memory_space<semaphore_mem>>) src(%dma_wait3A_536 : memref<2x200x32xf32, #tpu.memory_space<vmem>>) dst(%dma_wait3A_531 : memref<2x200x32xf32, #tpu.memory_space<hbm>>)
      } else {
      }
      %dma_start3A_372 = arith.constant 2 : i32
      %dma_start3A_373 = arith.constant 0 : i32
      %dma_start3A_374 = arith.constant 2 : i32
      %dma_start3A_375 = arith.constant 0 : i32
      %dma_start3A_376 = arith.constant 0 : i32
      %dma_start3A_377 = arith.constant 0 : i32
      %dma_start3A_378 = tpu.memref_slice %arg6[%dma_start3A_374, %dma_start3A_375, %dma_start3A_376, %dma_start3A_377] : memref<4x2x200x32xf32, #tpu.memory_space<vmem>> -> memref<1x1x128x32xf32, #tpu.memory_space<vmem>>
      %dma_start3A_379 = tpu.memref_squeeze %dma_start3A_378 : memref<1x1x128x32xf32, #tpu.memory_space<vmem>> -> memref<128x32xf32, #tpu.memory_space<vmem>>
      %dma_start3A_380 = arith.constant 0 : i32
      %dma_start3A_381 = tpu.memref_slice %arg5[%dma_start3A_372, %dma_start3A_373, %dma_start3A_380] : memref<4x2x200xi32, #tpu.memory_space<vmem>> -> memref<1x1x128xi32, #tpu.memory_space<vmem>>
      %dma_start3A_382 = tpu.memref_squeeze %dma_start3A_381 : memref<1x1x128xi32, #tpu.memory_space<vmem>> -> memref<128xi32, #tpu.memory_space<vmem>>
      %dma_start3A_383 = arith.constant 0 : i32
      %dma_start3A_384 = arith.constant 0 : i32
      %dma_start3A_385 = tpu.memref_slice %arg3[%dma_start3A_383, %dma_start3A_384] : memref<100000x32xf32, #tpu.memory_space<hbm>> -> memref<100000x32xf32, #tpu.memory_space<hbm>>
      tpu.enqueue_indirect_dma source(%dma_start3A_385 : memref<100000x32xf32, #tpu.memory_space<hbm>>) target(%dma_start3A_379 : memref<128x32xf32, #tpu.memory_space<vmem>>) offsets(%dma_start3A_382 : memref<128xi32, #tpu.memory_space<vmem>>) semaphore(%arg13 : memref<!tpu.dma_semaphore, #tpu.memory_space<semaphore_mem>>)
      %dma_start3A_386 = arith.constant 2 : i32
      %dma_start3A_387 = arith.constant 0 : i32
      %dma_start3A_388 = arith.constant 2 : i32
      %dma_start3A_389 = arith.constant 0 : i32
      %dma_start3A_390 = arith.constant 128 : i32
      %dma_start3A_391 = arith.constant 0 : i32
      %dma_start3A_392 = tpu.memref_slice %arg6[%dma_start3A_388, %dma_start3A_389, %dma_start3A_390, %dma_start3A_391] : memref<4x2x200x32xf32, #tpu.memory_space<vmem>> -> memref<1x1x72x32xf32, #tpu.memory_space<vmem>>
      %dma_start3A_393 = tpu.memref_squeeze %dma_start3A_392 : memref<1x1x72x32xf32, #tpu.memory_space<vmem>> -> memref<72x32xf32, #tpu.memory_space<vmem>>
      %dma_start3A_394 = arith.constant 128 : i32
      %dma_start3A_395 = tpu.memref_slice %arg5[%dma_start3A_386, %dma_start3A_387, %dma_start3A_394] : memref<4x2x200xi32, #tpu.memory_space<vmem>> -> memref<1x1x72xi32, #tpu.memory_space<vmem>>
      %dma_start3A_396 = tpu.memref_squeeze %dma_start3A_395 : memref<1x1x72xi32, #tpu.memory_space<vmem>> -> memref<72xi32, #tpu.memory_space<vmem>>
      %dma_start3A_397 = arith.constant 0 : i32
      %dma_start3A_398 = arith.constant 0 : i32
      %dma_start3A_399 = tpu.memref_slice %arg3[%dma_start3A_397, %dma_start3A_398] : memref<100000x32xf32, #tpu.memory_space<hbm>> -> memref<100000x32xf32, #tpu.memory_space<hbm>>
      tpu.enqueue_indirect_dma source(%dma_start3A_399 : memref<100000x32xf32, #tpu.memory_space<hbm>>) target(%dma_start3A_393 : memref<72x32xf32, #tpu.memory_space<vmem>>) offsets(%dma_start3A_396 : memref<72xi32, #tpu.memory_space<vmem>>) semaphore(%arg13 : memref<!tpu.dma_semaphore, #tpu.memory_space<semaphore_mem>>)
      %dma_start3A_400 = arith.constant 2 : i32
      %dma_start3A_401 = arith.constant 1 : i32
      %dma_start3A_402 = arith.constant 2 : i32
      %dma_start3A_403 = arith.constant 1 : i32
      %dma_start3A_404 = arith.constant 0 : i32
      %dma_start3A_405 = arith.constant 0 : i32
      %dma_start3A_406 = tpu.memref_slice %arg6[%dma_start3A_402, %dma_start3A_403, %dma_start3A_404, %dma_start3A_405] : memref<4x2x200x32xf32, #tpu.memory_space<vmem>> -> memref<1x1x128x32xf32, #tpu.memory_space<vmem>>
      %dma_start3A_407 = tpu.memref_squeeze %dma_start3A_406 : memref<1x1x128x32xf32, #tpu.memory_space<vmem>> -> memref<128x32xf32, #tpu.memory_space<vmem>>
      %dma_start3A_408 = arith.constant 0 : i32
      %dma_start3A_409 = tpu.memref_slice %arg5[%dma_start3A_400, %dma_start3A_401, %dma_start3A_408] : memref<4x2x200xi32, #tpu.memory_space<vmem>> -> memref<1x1x128xi32, #tpu.memory_space<vmem>>
      %dma_start3A_410 = tpu.memref_squeeze %dma_start3A_409 : memref<1x1x128xi32, #tpu.memory_space<vmem>> -> memref<128xi32, #tpu.memory_space<vmem>>
      %dma_start3A_411 = arith.constant 0 : i32
      %dma_start3A_412 = arith.constant 0 : i32
      %dma_start3A_413 = tpu.memref_slice %arg3[%dma_start3A_411, %dma_start3A_412] : memref<100000x32xf32, #tpu.memory_space<hbm>> -> memref<100000x32xf32, #tpu.memory_space<hbm>>
      tpu.enqueue_indirect_dma source(%dma_start3A_413 : memref<100000x32xf32, #tpu.memory_space<hbm>>) target(%dma_start3A_407 : memref<128x32xf32, #tpu.memory_space<vmem>>) offsets(%dma_start3A_410 : memref<128xi32, #tpu.memory_space<vmem>>) semaphore(%arg13 : memref<!tpu.dma_semaphore, #tpu.memory_space<semaphore_mem>>)
      %dma_start3A_414 = arith.constant 2 : i32
      %dma_start3A_415 = arith.constant 1 : i32
      %dma_start3A_416 = arith.constant 2 : i32
      %dma_start3A_417 = arith.constant 1 : i32
      %dma_start3A_418 = arith.constant 128 : i32
      %dma_start3A_419 = arith.constant 0 : i32
      %dma_start3A_420 = tpu.memref_slice %arg6[%dma_start3A_416, %dma_start3A_417, %dma_start3A_418, %dma_start3A_419] : memref<4x2x200x32xf32, #tpu.memory_space<vmem>> -> memref<1x1x72x32xf32, #tpu.memory_space<vmem>>
      %dma_start3A_421 = tpu.memref_squeeze %dma_start3A_420 : memref<1x1x72x32xf32, #tpu.memory_space<vmem>> -> memref<72x32xf32, #tpu.memory_space<vmem>>
      %dma_start3A_422 = arith.constant 128 : i32
      %dma_start3A_423 = tpu.memref_slice %arg5[%dma_start3A_414, %dma_start3A_415, %dma_start3A_422] : memref<4x2x200xi32, #tpu.memory_space<vmem>> -> memref<1x1x72xi32, #tpu.memory_space<vmem>>
      %dma_start3A_424 = tpu.memref_squeeze %dma_start3A_423 : memref<1x1x72xi32, #tpu.memory_space<vmem>> -> memref<72xi32, #tpu.memory_space<vmem>>
      %dma_start3A_425 = arith.constant 0 : i32
      %dma_start3A_426 = arith.constant 0 : i32
      %dma_start3A_427 = tpu.memref_slice %arg3[%dma_start3A_425, %dma_start3A_426] : memref<100000x32xf32, #tpu.memory_space<hbm>> -> memref<100000x32xf32, #tpu.memory_space<hbm>>
      tpu.enqueue_indirect_dma source(%dma_start3A_427 : memref<100000x32xf32, #tpu.memory_space<hbm>>) target(%dma_start3A_421 : memref<72x32xf32, #tpu.memory_space<vmem>>) offsets(%dma_start3A_424 : memref<72xi32, #tpu.memory_space<vmem>>) semaphore(%arg13 : memref<!tpu.dma_semaphore, #tpu.memory_space<semaphore_mem>>)
      %gt3A_428 = arith.constant 0 : i32
      %gt3A_429 = arith.cmpi sgt, %add3A_351, %gt3A_428 : i32
      %convert_element_type3A_430 = arith.extui %gt3A_429 : i1 to i32
      %cond3A_431 = arith.constant 0 : i32
      %cond3A_432 = arith.cmpi ne, %convert_element_type3A_430, %cond3A_431 : i32
      scf.if %cond3A_432 {
        %dma_wait3A_518 = arith.constant 1 : i32
        %dma_wait3A_519 = arith.constant 0 : i32
        %dma_wait3A_520 = arith.constant 0 : i32
        %dma_wait3A_521 = arith.constant 0 : i32
        %dma_wait3A_522 = tpu.memref_slice %arg6[%dma_wait3A_518, %dma_wait3A_519, %dma_wait3A_520, %dma_wait3A_521] : memref<4x2x200x32xf32, #tpu.memory_space<vmem>> -> memref<1x2x200x32xf32, #tpu.memory_space<vmem>>
        %dma_wait3A_523 = tpu.memref_squeeze %dma_wait3A_522 : memref<1x2x200x32xf32, #tpu.memory_space<vmem>> -> memref<2x200x32xf32, #tpu.memory_space<vmem>>
        %dma_wait3A_524 = arith.constant 0 : i32
        %dma_wait3A_525 = arith.constant 0 : i32
        %dma_wait3A_526 = arith.constant 0 : i32
        %dma_wait3A_527 = tpu.memref_slice %arg4[%dma_wait3A_524, %dma_wait3A_525, %dma_wait3A_526] : memref<16384x200x32xf32, #tpu.memory_space<hbm>> -> memref<2x200x32xf32, #tpu.memory_space<hbm>>
        %dma_wait3A_528 = arith.constant 0 : i32
        %dma_wait3A_529 = arith.constant 0 : i32
        %dma_wait3A_530 = arith.constant 0 : i32
        %dma_wait3A_531 = tpu.memref_slice %arg6[%dma_wait3A_518, %dma_wait3A_528, %dma_wait3A_529, %dma_wait3A_530] : memref<4x2x200x32xf32, #tpu.memory_space<vmem>> -> memref<1x2x200x32xf32, #tpu.memory_space<vmem>>
        %dma_wait3A_532 = tpu.memref_squeeze %dma_wait3A_531 : memref<1x2x200x32xf32, #tpu.memory_space<vmem>> -> memref<2x200x32xf32, #tpu.memory_space<vmem>>
        %dma_wait3A_533 = arith.constant 0 : i32
        %dma_wait3A_534 = arith.constant 0 : i32
        %dma_wait3A_535 = arith.constant 0 : i32
        %dma_wait3A_536 = tpu.memref_slice %arg4[%dma_wait3A_533, %dma_wait3A_534, %dma_wait3A_535] : memref<16384x200x32xf32, #tpu.memory_space<hbm>> -> memref<2x200x32xf32, #tpu.memory_space<hbm>>
        tpu.wait_dma2 semaphore(%arg12 : memref<!tpu.dma_semaphore, #tpu.memory_space<semaphore_mem>>) src(%dma_wait3A_536 : memref<2x200x32xf32, #tpu.memory_space<hbm>>) dst(%dma_wait3A_532 : memref<2x200x32xf32, #tpu.memory_space<vmem>>)
        %sub3A = arith.constant 1 : i32
        %sub3A_537 = arith.subi %add3A_351, %sub3A : i32
        %mul3A_538 = arith.constant 2 : i32
        %mul3A_539 = arith.muli %sub3A_537, %mul3A_538 : i32
        %add3A_540 = arith.addi %mul3A_2, %mul3A_539 : i32
        %dma_start3A_541 = arith.constant 1 : i32
        %dma_start3A_542 = arith.constant 0 : i32
        %dma_start3A_543 = arith.constant 0 : i32
        %dma_start3A_544 = arith.constant 0 : i32
        %dma_start3A_545 = tpu.memref_slice %arg6[%dma_start3A_541, %dma_start3A_542, %dma_start3A_543, %dma_start3A_544] : memref<4x2x200x32xf32, #tpu.memory_space<vmem>> -> memref<1x2x200x32xf32, #tpu.memory_space<vmem>>
        %dma_start3A_546 = tpu.memref_squeeze %dma_start3A_545 : memref<1x2x200x32xf32, #tpu.memory_space<vmem>> -> memref<2x200x32xf32, #tpu.memory_space<vmem>>
        %dma_start3A_547 = arith.constant 0 : i32
        %dma_start3A_548 = arith.constant 0 : i32
        %dma_start3A_549 = tpu.memref_slice %arg4[%add3A_540, %dma_start3A_547, %dma_start3A_548] : memref<16384x200x32xf32, #tpu.memory_space<hbm>> -> memref<2x200x32xf32, #tpu.memory_space<hbm>>
        %dma_start3A_550 = arith.constant 0 : i32
        %dma_start3A_551 = arith.constant 0 : i32
        %dma_start3A_552 = tpu.memref_slice %arg4[%add3A_540, %dma_start3A_550, %dma_start3A_551] : memref<16384x200x32xf32, #tpu.memory_space<hbm>> -> memref<2x200x32xf32, #tpu.memory_space<hbm>>
        %dma_start3A_553 = arith.constant 0 : i32
        %dma_start3A_554 = arith.constant 0 : i32
        %dma_start3A_555 = arith.constant 0 : i32
        %dma_start3A_556 = tpu.memref_slice %arg6[%dma_start3A_541, %dma_start3A_553, %dma_start3A_554, %dma_start3A_555] : memref<4x2x200x32xf32, #tpu.memory_space<vmem>> -> memref<1x2x200x32xf32, #tpu.memory_space<vmem>>
        %dma_start3A_557 = tpu.memref_squeeze %dma_start3A_556 : memref<1x2x200x32xf32, #tpu.memory_space<vmem>> -> memref<2x200x32xf32, #tpu.memory_space<vmem>>
        tpu.enqueue_dma source(%dma_start3A_557 : memref<2x200x32xf32, #tpu.memory_space<vmem>>) target(%dma_start3A_552 : memref<2x200x32xf32, #tpu.memory_space<hbm>>) target_semaphore(%arg16 : memref<!tpu.dma_semaphore, #tpu.memory_space<semaphore_mem>>)
        %sub3A_558 = arith.constant 1 : i32
        %sub3A_559 = arith.subi %add3A_351, %sub3A_558 : i32
        %add3A_560 = arith.constant 4 : i32
        %add3A_561 = arith.addi %sub3A_559, %add3A_560 : i32
        %lt3A = arith.constant 256 : i32
        %lt3A_562 = arith.cmpi slt, %add3A_561, %lt3A : i32
        %convert_element_type3A_563 = arith.extui %lt3A_562 : i1 to i32
        %cond3A_564 = arith.constant 0 : i32
        %cond3A_565 = arith.cmpi ne, %convert_element_type3A_563, %cond3A_564 : i32
        scf.if %cond3A_565 {
          %sub3A_566 = arith.constant 1 : i32
          %sub3A_567 = arith.subi %add3A_351, %sub3A_566 : i32
          %add3A_568 = arith.constant 4 : i32
          %add3A_569 = arith.addi %sub3A_567, %add3A_568 : i32
          %mul3A_570 = arith.constant 2 : i32
          %mul3A_571 = arith.muli %add3A_569, %mul3A_570 : i32
          %add3A_572 = arith.addi %mul3A_2, %mul3A_571 : i32
          %dma_start3A_573 = arith.constant 1 : i32
          %dma_start3A_574 = arith.constant 0 : i32
          %dma_start3A_575 = arith.constant 0 : i32
          %dma_start3A_576 = tpu.memref_slice %arg5[%dma_start3A_573, %dma_start3A_574, %dma_start3A_575] : memref<4x2x200xi32, #tpu.memory_space<vmem>> -> memref<1x2x200xi32, #tpu.memory_space<vmem>>
          %dma_start3A_577 = tpu.memref_squeeze %dma_start3A_576 : memref<1x2x200xi32, #tpu.memory_space<vmem>> -> memref<2x200xi32, #tpu.memory_space<vmem>>
          %dma_start3A_578 = arith.constant 0 : i32
          %dma_start3A_579 = tpu.memref_slice %arg2[%add3A_572, %dma_start3A_578] : memref<16384x200xi32, #tpu.memory_space<hbm>> -> memref<2x200xi32, #tpu.memory_space<hbm>>
          %dma_start3A_580 = arith.constant 0 : i32
          %dma_start3A_581 = arith.constant 0 : i32
          %dma_start3A_582 = tpu.memref_slice %arg5[%dma_start3A_573, %dma_start3A_580, %dma_start3A_581] : memref<4x2x200xi32, #tpu.memory_space<vmem>> -> memref<1x2x200xi32, #tpu.memory_space<vmem>>
          %dma_start3A_583 = tpu.memref_squeeze %dma_start3A_582 : memref<1x2x200xi32, #tpu.memory_space<vmem>> -> memref<2x200xi32, #tpu.memory_space<vmem>>
          %dma_start3A_584 = arith.constant 0 : i32
          %dma_start3A_585 = tpu.memref_slice %arg2[%add3A_572, %dma_start3A_584] : memref<16384x200xi32, #tpu.memory_space<hbm>> -> memref<2x200xi32, #tpu.memory_space<hbm>>
          tpu.enqueue_dma source(%dma_start3A_585 : memref<2x200xi32, #tpu.memory_space<hbm>>) target(%dma_start3A_583 : memref<2x200xi32, #tpu.memory_space<vmem>>) target_semaphore(%arg8 : memref<!tpu.dma_semaphore, #tpu.memory_space<semaphore_mem>>)
        } else {
        }
      } else {
      }
      %mul3A_433 = arith.constant 4 : i32
      %mul3A_434 = arith.muli %scan3A_180, %mul3A_433 : i32
      %add3A_435 = arith.constant 3 : i32
      %add3A_436 = arith.addi %mul3A_434, %add3A_435 : i32
      %dma_wait3A_437 = arith.constant 3 : i32
      %dma_wait3A_438 = arith.constant 0 : i32
      %dma_wait3A_439 = arith.constant 0 : i32
      %dma_wait3A_440 = tpu.memref_slice %arg5[%dma_wait3A_437, %dma_wait3A_438, %dma_wait3A_439] : memref<4x2x200xi32, #tpu.memory_space<vmem>> -> memref<1x2x200xi32, #tpu.memory_space<vmem>>
      %dma_wait3A_441 = tpu.memref_squeeze %dma_wait3A_440 : memref<1x2x200xi32, #tpu.memory_space<vmem>> -> memref<2x200xi32, #tpu.memory_space<vmem>>
      %dma_wait3A_442 = arith.constant 0 : i32
      %dma_wait3A_443 = arith.constant 0 : i32
      %dma_wait3A_444 = tpu.memref_slice %arg2[%dma_wait3A_442, %dma_wait3A_443] : memref<16384x200xi32, #tpu.memory_space<hbm>> -> memref<2x200xi32, #tpu.memory_space<hbm>>
      %dma_wait3A_445 = arith.constant 0 : i32
      %dma_wait3A_446 = arith.constant 0 : i32
      %dma_wait3A_447 = tpu.memref_slice %arg5[%dma_wait3A_437, %dma_wait3A_445, %dma_wait3A_446] : memref<4x2x200xi32, #tpu.memory_space<vmem>> -> memref<1x2x200xi32, #tpu.memory_space<vmem>>
      %dma_wait3A_448 = tpu.memref_squeeze %dma_wait3A_447 : memref<1x2x200xi32, #tpu.memory_space<vmem>> -> memref<2x200xi32, #tpu.memory_space<vmem>>
      %dma_wait3A_449 = arith.constant 0 : i32
      %dma_wait3A_450 = arith.constant 0 : i32
      %dma_wait3A_451 = tpu.memref_slice %arg2[%dma_wait3A_449, %dma_wait3A_450] : memref<16384x200xi32, #tpu.memory_space<hbm>> -> memref<2x200xi32, #tpu.memory_space<hbm>>
      tpu.wait_dma2 semaphore(%arg10 : memref<!tpu.dma_semaphore, #tpu.memory_space<semaphore_mem>>) src(%dma_wait3A_451 : memref<2x200xi32, #tpu.memory_space<hbm>>) dst(%dma_wait3A_448 : memref<2x200xi32, #tpu.memory_space<vmem>>)
      %gt3A_452 = arith.constant 0 : i32
      %gt3A_453 = arith.cmpi sgt, %scan3A_180, %gt3A_452 : i32
      %convert_element_type3A_454 = arith.extui %gt3A_453 : i1 to i32
      %cond3A_455 = arith.constant 0 : i32
      %cond3A_456 = arith.cmpi ne, %convert_element_type3A_454, %cond3A_455 : i32
      scf.if %cond3A_456 {
        %dma_wait3A_518 = arith.constant 3 : i32
        %dma_wait3A_519 = arith.constant 0 : i32
        %dma_wait3A_520 = arith.constant 0 : i32
        %dma_wait3A_521 = arith.constant 0 : i32
        %dma_wait3A_522 = tpu.memref_slice %arg6[%dma_wait3A_518, %dma_wait3A_519, %dma_wait3A_520, %dma_wait3A_521] : memref<4x2x200x32xf32, #tpu.memory_space<vmem>> -> memref<1x2x200x32xf32, #tpu.memory_space<vmem>>
        %dma_wait3A_523 = tpu.memref_squeeze %dma_wait3A_522 : memref<1x2x200x32xf32, #tpu.memory_space<vmem>> -> memref<2x200x32xf32, #tpu.memory_space<vmem>>
        %dma_wait3A_524 = arith.constant 0 : i32
        %dma_wait3A_525 = arith.constant 0 : i32
        %dma_wait3A_526 = arith.constant 0 : i32
        %dma_wait3A_527 = tpu.memref_slice %arg4[%dma_wait3A_524, %dma_wait3A_525, %dma_wait3A_526] : memref<16384x200x32xf32, #tpu.memory_space<hbm>> -> memref<2x200x32xf32, #tpu.memory_space<hbm>>
        %dma_wait3A_528 = arith.constant 0 : i32
        %dma_wait3A_529 = arith.constant 0 : i32
        %dma_wait3A_530 = arith.constant 0 : i32
        %dma_wait3A_531 = tpu.memref_slice %arg4[%dma_wait3A_528, %dma_wait3A_529, %dma_wait3A_530] : memref<16384x200x32xf32, #tpu.memory_space<hbm>> -> memref<2x200x32xf32, #tpu.memory_space<hbm>>
        %dma_wait3A_532 = arith.constant 0 : i32
        %dma_wait3A_533 = arith.constant 0 : i32
        %dma_wait3A_534 = arith.constant 0 : i32
        %dma_wait3A_535 = tpu.memref_slice %arg6[%dma_wait3A_518, %dma_wait3A_532, %dma_wait3A_533, %dma_wait3A_534] : memref<4x2x200x32xf32, #tpu.memory_space<vmem>> -> memref<1x2x200x32xf32, #tpu.memory_space<vmem>>
        %dma_wait3A_536 = tpu.memref_squeeze %dma_wait3A_535 : memref<1x2x200x32xf32, #tpu.memory_space<vmem>> -> memref<2x200x32xf32, #tpu.memory_space<vmem>>
        tpu.wait_dma2 semaphore(%arg18 : memref<!tpu.dma_semaphore, #tpu.memory_space<semaphore_mem>>) src(%dma_wait3A_536 : memref<2x200x32xf32, #tpu.memory_space<vmem>>) dst(%dma_wait3A_531 : memref<2x200x32xf32, #tpu.memory_space<hbm>>)
      } else {
      }
      %dma_start3A_457 = arith.constant 3 : i32
      %dma_start3A_458 = arith.constant 0 : i32
      %dma_start3A_459 = arith.constant 3 : i32
      %dma_start3A_460 = arith.constant 0 : i32
      %dma_start3A_461 = arith.constant 0 : i32
      %dma_start3A_462 = arith.constant 0 : i32
      %dma_start3A_463 = tpu.memref_slice %arg6[%dma_start3A_459, %dma_start3A_460, %dma_start3A_461, %dma_start3A_462] : memref<4x2x200x32xf32, #tpu.memory_space<vmem>> -> memref<1x1x128x32xf32, #tpu.memory_space<vmem>>
      %dma_start3A_464 = tpu.memref_squeeze %dma_start3A_463 : memref<1x1x128x32xf32, #tpu.memory_space<vmem>> -> memref<128x32xf32, #tpu.memory_space<vmem>>
      %dma_start3A_465 = arith.constant 0 : i32
      %dma_start3A_466 = tpu.memref_slice %arg5[%dma_start3A_457, %dma_start3A_458, %dma_start3A_465] : memref<4x2x200xi32, #tpu.memory_space<vmem>> -> memref<1x1x128xi32, #tpu.memory_space<vmem>>
      %dma_start3A_467 = tpu.memref_squeeze %dma_start3A_466 : memref<1x1x128xi32, #tpu.memory_space<vmem>> -> memref<128xi32, #tpu.memory_space<vmem>>
      %dma_start3A_468 = arith.constant 0 : i32
      %dma_start3A_469 = arith.constant 0 : i32
      %dma_start3A_470 = tpu.memref_slice %arg3[%dma_start3A_468, %dma_start3A_469] : memref<100000x32xf32, #tpu.memory_space<hbm>> -> memref<100000x32xf32, #tpu.memory_space<hbm>>
      tpu.enqueue_indirect_dma source(%dma_start3A_470 : memref<100000x32xf32, #tpu.memory_space<hbm>>) target(%dma_start3A_464 : memref<128x32xf32, #tpu.memory_space<vmem>>) offsets(%dma_start3A_467 : memref<128xi32, #tpu.memory_space<vmem>>) semaphore(%arg14 : memref<!tpu.dma_semaphore, #tpu.memory_space<semaphore_mem>>)
      %dma_start3A_471 = arith.constant 3 : i32
      %dma_start3A_472 = arith.constant 0 : i32
      %dma_start3A_473 = arith.constant 3 : i32
      %dma_start3A_474 = arith.constant 0 : i32
      %dma_start3A_475 = arith.constant 128 : i32
      %dma_start3A_476 = arith.constant 0 : i32
      %dma_start3A_477 = tpu.memref_slice %arg6[%dma_start3A_473, %dma_start3A_474, %dma_start3A_475, %dma_start3A_476] : memref<4x2x200x32xf32, #tpu.memory_space<vmem>> -> memref<1x1x72x32xf32, #tpu.memory_space<vmem>>
      %dma_start3A_478 = tpu.memref_squeeze %dma_start3A_477 : memref<1x1x72x32xf32, #tpu.memory_space<vmem>> -> memref<72x32xf32, #tpu.memory_space<vmem>>
      %dma_start3A_479 = arith.constant 128 : i32
      %dma_start3A_480 = tpu.memref_slice %arg5[%dma_start3A_471, %dma_start3A_472, %dma_start3A_479] : memref<4x2x200xi32, #tpu.memory_space<vmem>> -> memref<1x1x72xi32, #tpu.memory_space<vmem>>
      %dma_start3A_481 = tpu.memref_squeeze %dma_start3A_480 : memref<1x1x72xi32, #tpu.memory_space<vmem>> -> memref<72xi32, #tpu.memory_space<vmem>>
      %dma_start3A_482 = arith.constant 0 : i32
      %dma_start3A_483 = arith.constant 0 : i32
      %dma_start3A_484 = tpu.memref_slice %arg3[%dma_start3A_482, %dma_start3A_483] : memref<100000x32xf32, #tpu.memory_space<hbm>> -> memref<100000x32xf32, #tpu.memory_space<hbm>>
      tpu.enqueue_indirect_dma source(%dma_start3A_484 : memref<100000x32xf32, #tpu.memory_space<hbm>>) target(%dma_start3A_478 : memref<72x32xf32, #tpu.memory_space<vmem>>) offsets(%dma_start3A_481 : memref<72xi32, #tpu.memory_space<vmem>>) semaphore(%arg14 : memref<!tpu.dma_semaphore, #tpu.memory_space<semaphore_mem>>)
      %dma_start3A_485 = arith.constant 3 : i32
      %dma_start3A_486 = arith.constant 1 : i32
      %dma_start3A_487 = arith.constant 3 : i32
      %dma_start3A_488 = arith.constant 1 : i32
      %dma_start3A_489 = arith.constant 0 : i32
      %dma_start3A_490 = arith.constant 0 : i32
      %dma_start3A_491 = tpu.memref_slice %arg6[%dma_start3A_487, %dma_start3A_488, %dma_start3A_489, %dma_start3A_490] : memref<4x2x200x32xf32, #tpu.memory_space<vmem>> -> memref<1x1x128x32xf32, #tpu.memory_space<vmem>>
      %dma_start3A_492 = tpu.memref_squeeze %dma_start3A_491 : memref<1x1x128x32xf32, #tpu.memory_space<vmem>> -> memref<128x32xf32, #tpu.memory_space<vmem>>
      %dma_start3A_493 = arith.constant 0 : i32
      %dma_start3A_494 = tpu.memref_slice %arg5[%dma_start3A_485, %dma_start3A_486, %dma_start3A_493] : memref<4x2x200xi32, #tpu.memory_space<vmem>> -> memref<1x1x128xi32, #tpu.memory_space<vmem>>
      %dma_start3A_495 = tpu.memref_squeeze %dma_start3A_494 : memref<1x1x128xi32, #tpu.memory_space<vmem>> -> memref<128xi32, #tpu.memory_space<vmem>>
      %dma_start3A_496 = arith.constant 0 : i32
      %dma_start3A_497 = arith.constant 0 : i32
      %dma_start3A_498 = tpu.memref_slice %arg3[%dma_start3A_496, %dma_start3A_497] : memref<100000x32xf32, #tpu.memory_space<hbm>> -> memref<100000x32xf32, #tpu.memory_space<hbm>>
      tpu.enqueue_indirect_dma source(%dma_start3A_498 : memref<100000x32xf32, #tpu.memory_space<hbm>>) target(%dma_start3A_492 : memref<128x32xf32, #tpu.memory_space<vmem>>) offsets(%dma_start3A_495 : memref<128xi32, #tpu.memory_space<vmem>>) semaphore(%arg14 : memref<!tpu.dma_semaphore, #tpu.memory_space<semaphore_mem>>)
      %dma_start3A_499 = arith.constant 3 : i32
      %dma_start3A_500 = arith.constant 1 : i32
      %dma_start3A_501 = arith.constant 3 : i32
      %dma_start3A_502 = arith.constant 1 : i32
      %dma_start3A_503 = arith.constant 128 : i32
      %dma_start3A_504 = arith.constant 0 : i32
      %dma_start3A_505 = tpu.memref_slice %arg6[%dma_start3A_501, %dma_start3A_502, %dma_start3A_503, %dma_start3A_504] : memref<4x2x200x32xf32, #tpu.memory_space<vmem>> -> memref<1x1x72x32xf32, #tpu.memory_space<vmem>>
      %dma_start3A_506 = tpu.memref_squeeze %dma_start3A_505 : memref<1x1x72x32xf32, #tpu.memory_space<vmem>> -> memref<72x32xf32, #tpu.memory_space<vmem>>
      %dma_start3A_507 = arith.constant 128 : i32
      %dma_start3A_508 = tpu.memref_slice %arg5[%dma_start3A_499, %dma_start3A_500, %dma_start3A_507] : memref<4x2x200xi32, #tpu.memory_space<vmem>> -> memref<1x1x72xi32, #tpu.memory_space<vmem>>
      %dma_start3A_509 = tpu.memref_squeeze %dma_start3A_508 : memref<1x1x72xi32, #tpu.memory_space<vmem>> -> memref<72xi32, #tpu.memory_space<vmem>>
      %dma_start3A_510 = arith.constant 0 : i32
      %dma_start3A_511 = arith.constant 0 : i32
      %dma_start3A_512 = tpu.memref_slice %arg3[%dma_start3A_510, %dma_start3A_511] : memref<100000x32xf32, #tpu.memory_space<hbm>> -> memref<100000x32xf32, #tpu.memory_space<hbm>>
      tpu.enqueue_indirect_dma source(%dma_start3A_512 : memref<100000x32xf32, #tpu.memory_space<hbm>>) target(%dma_start3A_506 : memref<72x32xf32, #tpu.memory_space<vmem>>) offsets(%dma_start3A_509 : memref<72xi32, #tpu.memory_space<vmem>>) semaphore(%arg14 : memref<!tpu.dma_semaphore, #tpu.memory_space<semaphore_mem>>)
      %gt3A_513 = arith.constant 0 : i32
      %gt3A_514 = arith.cmpi sgt, %add3A_436, %gt3A_513 : i32
      %convert_element_type3A_515 = arith.extui %gt3A_514 : i1 to i32
      %cond3A_516 = arith.constant 0 : i32
      %cond3A_517 = arith.cmpi ne, %convert_element_type3A_515, %cond3A_516 : i32
      scf.if %cond3A_517 {
        %dma_wait3A_518 = arith.constant 2 : i32
        %dma_wait3A_519 = arith.constant 0 : i32
        %dma_wait3A_520 = arith.constant 0 : i32
        %dma_wait3A_521 = arith.constant 0 : i32
        %dma_wait3A_522 = tpu.memref_slice %arg6[%dma_wait3A_518, %dma_wait3A_519, %dma_wait3A_520, %dma_wait3A_521] : memref<4x2x200x32xf32, #tpu.memory_space<vmem>> -> memref<1x2x200x32xf32, #tpu.memory_space<vmem>>
        %dma_wait3A_523 = tpu.memref_squeeze %dma_wait3A_522 : memref<1x2x200x32xf32, #tpu.memory_space<vmem>> -> memref<2x200x32xf32, #tpu.memory_space<vmem>>
        %dma_wait3A_524 = arith.constant 0 : i32
        %dma_wait3A_525 = arith.constant 0 : i32
        %dma_wait3A_526 = arith.constant 0 : i32
        %dma_wait3A_527 = tpu.memref_slice %arg4[%dma_wait3A_524, %dma_wait3A_525, %dma_wait3A_526] : memref<16384x200x32xf32, #tpu.memory_space<hbm>> -> memref<2x200x32xf32, #tpu.memory_space<hbm>>
        %dma_wait3A_528 = arith.constant 0 : i32
        %dma_wait3A_529 = arith.constant 0 : i32
        %dma_wait3A_530 = arith.constant 0 : i32
        %dma_wait3A_531 = tpu.memref_slice %arg6[%dma_wait3A_518, %dma_wait3A_528, %dma_wait3A_529, %dma_wait3A_530] : memref<4x2x200x32xf32, #tpu.memory_space<vmem>> -> memref<1x2x200x32xf32, #tpu.memory_space<vmem>>
        %dma_wait3A_532 = tpu.memref_squeeze %dma_wait3A_531 : memref<1x2x200x32xf32, #tpu.memory_space<vmem>> -> memref<2x200x32xf32, #tpu.memory_space<vmem>>
        %dma_wait3A_533 = arith.constant 0 : i32
        %dma_wait3A_534 = arith.constant 0 : i32
        %dma_wait3A_535 = arith.constant 0 : i32
        %dma_wait3A_536 = tpu.memref_slice %arg4[%dma_wait3A_533, %dma_wait3A_534, %dma_wait3A_535] : memref<16384x200x32xf32, #tpu.memory_space<hbm>> -> memref<2x200x32xf32, #tpu.memory_space<hbm>>
        tpu.wait_dma2 semaphore(%arg13 : memref<!tpu.dma_semaphore, #tpu.memory_space<semaphore_mem>>) src(%dma_wait3A_536 : memref<2x200x32xf32, #tpu.memory_space<hbm>>) dst(%dma_wait3A_532 : memref<2x200x32xf32, #tpu.memory_space<vmem>>)
        %sub3A = arith.constant 1 : i32
        %sub3A_537 = arith.subi %add3A_436, %sub3A : i32
        %mul3A_538 = arith.constant 2 : i32
        %mul3A_539 = arith.muli %sub3A_537, %mul3A_538 : i32
        %add3A_540 = arith.addi %mul3A_2, %mul3A_539 : i32
        %dma_start3A_541 = arith.constant 2 : i32
        %dma_start3A_542 = arith.constant 0 : i32
        %dma_start3A_543 = arith.constant 0 : i32
        %dma_start3A_544 = arith.constant 0 : i32
        %dma_start3A_545 = tpu.memref_slice %arg6[%dma_start3A_541, %dma_start3A_542, %dma_start3A_543, %dma_start3A_544] : memref<4x2x200x32xf32, #tpu.memory_space<vmem>> -> memref<1x2x200x32xf32, #tpu.memory_space<vmem>>
        %dma_start3A_546 = tpu.memref_squeeze %dma_start3A_545 : memref<1x2x200x32xf32, #tpu.memory_space<vmem>> -> memref<2x200x32xf32, #tpu.memory_space<vmem>>
        %dma_start3A_547 = arith.constant 0 : i32
        %dma_start3A_548 = arith.constant 0 : i32
        %dma_start3A_549 = tpu.memref_slice %arg4[%add3A_540, %dma_start3A_547, %dma_start3A_548] : memref<16384x200x32xf32, #tpu.memory_space<hbm>> -> memref<2x200x32xf32, #tpu.memory_space<hbm>>
        %dma_start3A_550 = arith.constant 0 : i32
        %dma_start3A_551 = arith.constant 0 : i32
        %dma_start3A_552 = tpu.memref_slice %arg4[%add3A_540, %dma_start3A_550, %dma_start3A_551] : memref<16384x200x32xf32, #tpu.memory_space<hbm>> -> memref<2x200x32xf32, #tpu.memory_space<hbm>>
        %dma_start3A_553 = arith.constant 0 : i32
        %dma_start3A_554 = arith.constant 0 : i32
        %dma_start3A_555 = arith.constant 0 : i32
        %dma_start3A_556 = tpu.memref_slice %arg6[%dma_start3A_541, %dma_start3A_553, %dma_start3A_554, %dma_start3A_555] : memref<4x2x200x32xf32, #tpu.memory_space<vmem>> -> memref<1x2x200x32xf32, #tpu.memory_space<vmem>>
        %dma_start3A_557 = tpu.memref_squeeze %dma_start3A_556 : memref<1x2x200x32xf32, #tpu.memory_space<vmem>> -> memref<2x200x32xf32, #tpu.memory_space<vmem>>
        tpu.enqueue_dma source(%dma_start3A_557 : memref<2x200x32xf32, #tpu.memory_space<vmem>>) target(%dma_start3A_552 : memref<2x200x32xf32, #tpu.memory_space<hbm>>) target_semaphore(%arg17 : memref<!tpu.dma_semaphore, #tpu.memory_space<semaphore_mem>>)
        %sub3A_558 = arith.constant 1 : i32
        %sub3A_559 = arith.subi %add3A_436, %sub3A_558 : i32
        %add3A_560 = arith.constant 4 : i32
        %add3A_561 = arith.addi %sub3A_559, %add3A_560 : i32
        %lt3A = arith.constant 256 : i32
        %lt3A_562 = arith.cmpi slt, %add3A_561, %lt3A : i32
        %convert_element_type3A_563 = arith.extui %lt3A_562 : i1 to i32
        %cond3A_564 = arith.constant 0 : i32
        %cond3A_565 = arith.cmpi ne, %convert_element_type3A_563, %cond3A_564 : i32
        scf.if %cond3A_565 {
          %sub3A_566 = arith.constant 1 : i32
          %sub3A_567 = arith.subi %add3A_436, %sub3A_566 : i32
          %add3A_568 = arith.constant 4 : i32
          %add3A_569 = arith.addi %sub3A_567, %add3A_568 : i32
          %mul3A_570 = arith.constant 2 : i32
          %mul3A_571 = arith.muli %add3A_569, %mul3A_570 : i32
          %add3A_572 = arith.addi %mul3A_2, %mul3A_571 : i32
          %dma_start3A_573 = arith.constant 2 : i32
          %dma_start3A_574 = arith.constant 0 : i32
          %dma_start3A_575 = arith.constant 0 : i32
          %dma_start3A_576 = tpu.memref_slice %arg5[%dma_start3A_573, %dma_start3A_574, %dma_start3A_575] : memref<4x2x200xi32, #tpu.memory_space<vmem>> -> memref<1x2x200xi32, #tpu.memory_space<vmem>>
          %dma_start3A_577 = tpu.memref_squeeze %dma_start3A_576 : memref<1x2x200xi32, #tpu.memory_space<vmem>> -> memref<2x200xi32, #tpu.memory_space<vmem>>
          %dma_start3A_578 = arith.constant 0 : i32
          %dma_start3A_579 = tpu.memref_slice %arg2[%add3A_572, %dma_start3A_578] : memref<16384x200xi32, #tpu.memory_space<hbm>> -> memref<2x200xi32, #tpu.memory_space<hbm>>
          %dma_start3A_580 = arith.constant 0 : i32
          %dma_start3A_581 = arith.constant 0 : i32
          %dma_start3A_582 = tpu.memref_slice %arg5[%dma_start3A_573, %dma_start3A_580, %dma_start3A_581] : memref<4x2x200xi32, #tpu.memory_space<vmem>> -> memref<1x2x200xi32, #tpu.memory_space<vmem>>
          %dma_start3A_583 = tpu.memref_squeeze %dma_start3A_582 : memref<1x2x200xi32, #tpu.memory_space<vmem>> -> memref<2x200xi32, #tpu.memory_space<vmem>>
          %dma_start3A_584 = arith.constant 0 : i32
          %dma_start3A_585 = tpu.memref_slice %arg2[%add3A_572, %dma_start3A_584] : memref<16384x200xi32, #tpu.memory_space<hbm>> -> memref<2x200xi32, #tpu.memory_space<hbm>>
          tpu.enqueue_dma source(%dma_start3A_585 : memref<2x200xi32, #tpu.memory_space<hbm>>) target(%dma_start3A_583 : memref<2x200xi32, #tpu.memory_space<vmem>>) target_semaphore(%arg9 : memref<!tpu.dma_semaphore, #tpu.memory_space<semaphore_mem>>)
        } else {
        }
      } else {
      }
    }
    %scan3A_66 = arith.constant 64 : i32
    %dma_wait3A = arith.constant 3 : i32
    %dma_wait3A_67 = arith.constant 0 : i32
    %dma_wait3A_68 = arith.constant 0 : i32
    %dma_wait3A_69 = arith.constant 0 : i32
    %dma_wait3A_70 = tpu.memref_slice %arg6[%dma_wait3A, %dma_wait3A_67, %dma_wait3A_68, %dma_wait3A_69] : memref<4x2x200x32xf32, #tpu.memory_space<vmem>> -> memref<1x2x200x32xf32, #tpu.memory_space<vmem>>
    %dma_wait3A_71 = tpu.memref_squeeze %dma_wait3A_70 : memref<1x2x200x32xf32, #tpu.memory_space<vmem>> -> memref<2x200x32xf32, #tpu.memory_space<vmem>>
    %dma_wait3A_72 = arith.constant 0 : i32
    %dma_wait3A_73 = arith.constant 0 : i32
    %dma_wait3A_74 = arith.constant 0 : i32
    %dma_wait3A_75 = tpu.memref_slice %arg4[%dma_wait3A_72, %dma_wait3A_73, %dma_wait3A_74] : memref<16384x200x32xf32, #tpu.memory_space<hbm>> -> memref<2x200x32xf32, #tpu.memory_space<hbm>>
    %dma_wait3A_76 = arith.constant 0 : i32
    %dma_wait3A_77 = arith.constant 0 : i32
    %dma_wait3A_78 = arith.constant 0 : i32
    %dma_wait3A_79 = tpu.memref_slice %arg6[%dma_wait3A, %dma_wait3A_76, %dma_wait3A_77, %dma_wait3A_78] : memref<4x2x200x32xf32, #tpu.memory_space<vmem>> -> memref<1x2x200x32xf32, #tpu.memory_space<vmem>>
    %dma_wait3A_80 = tpu.memref_squeeze %dma_wait3A_79 : memref<1x2x200x32xf32, #tpu.memory_space<vmem>> -> memref<2x200x32xf32, #tpu.memory_space<vmem>>
    %dma_wait3A_81 = arith.constant 0 : i32
    %dma_wait3A_82 = arith.constant 0 : i32
    %dma_wait3A_83 = arith.constant 0 : i32
    %dma_wait3A_84 = tpu.memref_slice %arg4[%dma_wait3A_81, %dma_wait3A_82, %dma_wait3A_83] : memref<16384x200x32xf32, #tpu.memory_space<hbm>> -> memref<2x200x32xf32, #tpu.memory_space<hbm>>
    tpu.wait_dma2 semaphore(%arg14 : memref<!tpu.dma_semaphore, #tpu.memory_space<semaphore_mem>>) src(%dma_wait3A_84 : memref<2x200x32xf32, #tpu.memory_space<hbm>>) dst(%dma_wait3A_80 : memref<2x200x32xf32, #tpu.memory_space<vmem>>)
    %add3A_85 = arith.constant 510 : i32
    %add3A_86 = arith.addi %mul3A_2, %add3A_85 : i32
    %dma_start3A_87 = arith.constant 3 : i32
    %dma_start3A_88 = arith.constant 0 : i32
    %dma_start3A_89 = arith.constant 0 : i32
    %dma_start3A_90 = arith.constant 0 : i32
    %dma_start3A_91 = tpu.memref_slice %arg6[%dma_start3A_87, %dma_start3A_88, %dma_start3A_89, %dma_start3A_90] : memref<4x2x200x32xf32, #tpu.memory_space<vmem>> -> memref<1x2x200x32xf32, #tpu.memory_space<vmem>>
    %dma_start3A_92 = tpu.memref_squeeze %dma_start3A_91 : memref<1x2x200x32xf32, #tpu.memory_space<vmem>> -> memref<2x200x32xf32, #tpu.memory_space<vmem>>
    %dma_start3A_93 = arith.constant 0 : i32
    %dma_start3A_94 = arith.constant 0 : i32
    %dma_start3A_95 = tpu.memref_slice %arg4[%add3A_86, %dma_start3A_93, %dma_start3A_94] : memref<16384x200x32xf32, #tpu.memory_space<hbm>> -> memref<2x200x32xf32, #tpu.memory_space<hbm>>
    %dma_start3A_96 = arith.constant 0 : i32
    %dma_start3A_97 = arith.constant 0 : i32
    %dma_start3A_98 = tpu.memref_slice %arg4[%add3A_86, %dma_start3A_96, %dma_start3A_97] : memref<16384x200x32xf32, #tpu.memory_space<hbm>> -> memref<2x200x32xf32, #tpu.memory_space<hbm>>
    %dma_start3A_99 = arith.constant 0 : i32
    %dma_start3A_100 = arith.constant 0 : i32
    %dma_start3A_101 = arith.constant 0 : i32
    %dma_start3A_102 = tpu.memref_slice %arg6[%dma_start3A_87, %dma_start3A_99, %dma_start3A_100, %dma_start3A_101] : memref<4x2x200x32xf32, #tpu.memory_space<vmem>> -> memref<1x2x200x32xf32, #tpu.memory_space<vmem>>
    %dma_start3A_103 = tpu.memref_squeeze %dma_start3A_102 : memref<1x2x200x32xf32, #tpu.memory_space<vmem>> -> memref<2x200x32xf32, #tpu.memory_space<vmem>>
    tpu.enqueue_dma source(%dma_start3A_103 : memref<2x200x32xf32, #tpu.memory_space<vmem>>) target(%dma_start3A_98 : memref<2x200x32xf32, #tpu.memory_space<hbm>>) target_semaphore(%arg18 : memref<!tpu.dma_semaphore, #tpu.memory_space<semaphore_mem>>)
    %dma_wait3A_104 = arith.constant 0 : i32
    %dma_wait3A_105 = arith.constant 0 : i32
    %dma_wait3A_106 = arith.constant 0 : i32
    %dma_wait3A_107 = arith.constant 0 : i32
    %dma_wait3A_108 = tpu.memref_slice %arg6[%dma_wait3A_104, %dma_wait3A_105, %dma_wait3A_106, %dma_wait3A_107] : memref<4x2x200x32xf32, #tpu.memory_space<vmem>> -> memref<1x2x200x32xf32, #tpu.memory_space<vmem>>
    %dma_wait3A_109 = tpu.memref_squeeze %dma_wait3A_108 : memref<1x2x200x32xf32, #tpu.memory_space<vmem>> -> memref<2x200x32xf32, #tpu.memory_space<vmem>>
    %dma_wait3A_110 = arith.constant 0 : i32
    %dma_wait3A_111 = arith.constant 0 : i32
    %dma_wait3A_112 = arith.constant 0 : i32
    %dma_wait3A_113 = tpu.memref_slice %arg4[%dma_wait3A_110, %dma_wait3A_111, %dma_wait3A_112] : memref<16384x200x32xf32, #tpu.memory_space<hbm>> -> memref<2x200x32xf32, #tpu.memory_space<hbm>>
    %dma_wait3A_114 = arith.constant 0 : i32
    %dma_wait3A_115 = arith.constant 0 : i32
    %dma_wait3A_116 = arith.constant 0 : i32
    %dma_wait3A_117 = tpu.memref_slice %arg4[%dma_wait3A_114, %dma_wait3A_115, %dma_wait3A_116] : memref<16384x200x32xf32, #tpu.memory_space<hbm>> -> memref<2x200x32xf32, #tpu.memory_space<hbm>>
    %dma_wait3A_118 = arith.constant 0 : i32
    %dma_wait3A_119 = arith.constant 0 : i32
    %dma_wait3A_120 = arith.constant 0 : i32
    %dma_wait3A_121 = tpu.memref_slice %arg6[%dma_wait3A_104, %dma_wait3A_118, %dma_wait3A_119, %dma_wait3A_120] : memref<4x2x200x32xf32, #tpu.memory_space<vmem>> -> memref<1x2x200x32xf32, #tpu.memory_space<vmem>>
    %dma_wait3A_122 = tpu.memref_squeeze %dma_wait3A_121 : memref<1x2x200x32xf32, #tpu.memory_space<vmem>> -> memref<2x200x32xf32, #tpu.memory_space<vmem>>
    tpu.wait_dma2 semaphore(%arg15 : memref<!tpu.dma_semaphore, #tpu.memory_space<semaphore_mem>>) src(%dma_wait3A_122 : memref<2x200x32xf32, #tpu.memory_space<vmem>>) dst(%dma_wait3A_117 : memref<2x200x32xf32, #tpu.memory_space<hbm>>)
    %dma_wait3A_123 = arith.constant 1 : i32
    %dma_wait3A_124 = arith.constant 0 : i32
    %dma_wait3A_125 = arith.constant 0 : i32
    %dma_wait3A_126 = arith.constant 0 : i32
    %dma_wait3A_127 = tpu.memref_slice %arg6[%dma_wait3A_123, %dma_wait3A_124, %dma_wait3A_125, %dma_wait3A_126] : memref<4x2x200x32xf32, #tpu.memory_space<vmem>> -> memref<1x2x200x32xf32, #tpu.memory_space<vmem>>
    %dma_wait3A_128 = tpu.memref_squeeze %dma_wait3A_127 : memref<1x2x200x32xf32, #tpu.memory_space<vmem>> -> memref<2x200x32xf32, #tpu.memory_space<vmem>>
    %dma_wait3A_129 = arith.constant 0 : i32
    %dma_wait3A_130 = arith.constant 0 : i32
    %dma_wait3A_131 = arith.constant 0 : i32
    %dma_wait3A_132 = tpu.memref_slice %arg4[%dma_wait3A_129, %dma_wait3A_130, %dma_wait3A_131] : memref<16384x200x32xf32, #tpu.memory_space<hbm>> -> memref<2x200x32xf32, #tpu.memory_space<hbm>>
    %dma_wait3A_133 = arith.constant 0 : i32
    %dma_wait3A_134 = arith.constant 0 : i32
    %dma_wait3A_135 = arith.constant 0 : i32
    %dma_wait3A_136 = tpu.memref_slice %arg4[%dma_wait3A_133, %dma_wait3A_134, %dma_wait3A_135] : memref<16384x200x32xf32, #tpu.memory_space<hbm>> -> memref<2x200x32xf32, #tpu.memory_space<hbm>>
    %dma_wait3A_137 = arith.constant 0 : i32
    %dma_wait3A_138 = arith.constant 0 : i32
    %dma_wait3A_139 = arith.constant 0 : i32
    %dma_wait3A_140 = tpu.memref_slice %arg6[%dma_wait3A_123, %dma_wait3A_137, %dma_wait3A_138, %dma_wait3A_139] : memref<4x2x200x32xf32, #tpu.memory_space<vmem>> -> memref<1x2x200x32xf32, #tpu.memory_space<vmem>>
    %dma_wait3A_141 = tpu.memref_squeeze %dma_wait3A_140 : memref<1x2x200x32xf32, #tpu.memory_space<vmem>> -> memref<2x200x32xf32, #tpu.memory_space<vmem>>
    tpu.wait_dma2 semaphore(%arg16 : memref<!tpu.dma_semaphore, #tpu.memory_space<semaphore_mem>>) src(%dma_wait3A_141 : memref<2x200x32xf32, #tpu.memory_space<vmem>>) dst(%dma_wait3A_136 : memref<2x200x32xf32, #tpu.memory_space<hbm>>)
    %dma_wait3A_142 = arith.constant 2 : i32
    %dma_wait3A_143 = arith.constant 0 : i32
    %dma_wait3A_144 = arith.constant 0 : i32
    %dma_wait3A_145 = arith.constant 0 : i32
    %dma_wait3A_146 = tpu.memref_slice %arg6[%dma_wait3A_142, %dma_wait3A_143, %dma_wait3A_144, %dma_wait3A_145] : memref<4x2x200x32xf32, #tpu.memory_space<vmem>> -> memref<1x2x200x32xf32, #tpu.memory_space<vmem>>
    %dma_wait3A_147 = tpu.memref_squeeze %dma_wait3A_146 : memref<1x2x200x32xf32, #tpu.memory_space<vmem>> -> memref<2x200x32xf32, #tpu.memory_space<vmem>>
    %dma_wait3A_148 = arith.constant 0 : i32
    %dma_wait3A_149 = arith.constant 0 : i32
    %dma_wait3A_150 = arith.constant 0 : i32
    %dma_wait3A_151 = tpu.memref_slice %arg4[%dma_wait3A_148, %dma_wait3A_149, %dma_wait3A_150] : memref<16384x200x32xf32, #tpu.memory_space<hbm>> -> memref<2x200x32xf32, #tpu.memory_space<hbm>>
    %dma_wait3A_152 = arith.constant 0 : i32
    %dma_wait3A_153 = arith.constant 0 : i32
    %dma_wait3A_154 = arith.constant 0 : i32
    %dma_wait3A_155 = tpu.memref_slice %arg4[%dma_wait3A_152, %dma_wait3A_153, %dma_wait3A_154] : memref<16384x200x32xf32, #tpu.memory_space<hbm>> -> memref<2x200x32xf32, #tpu.memory_space<hbm>>
    %dma_wait3A_156 = arith.constant 0 : i32
    %dma_wait3A_157 = arith.constant 0 : i32
    %dma_wait3A_158 = arith.constant 0 : i32
    %dma_wait3A_159 = tpu.memref_slice %arg6[%dma_wait3A_142, %dma_wait3A_156, %dma_wait3A_157, %dma_wait3A_158] : memref<4x2x200x32xf32, #tpu.memory_space<vmem>> -> memref<1x2x200x32xf32, #tpu.memory_space<vmem>>
    %dma_wait3A_160 = tpu.memref_squeeze %dma_wait3A_159 : memref<1x2x200x32xf32, #tpu.memory_space<vmem>> -> memref<2x200x32xf32, #tpu.memory_space<vmem>>
    tpu.wait_dma2 semaphore(%arg17 : memref<!tpu.dma_semaphore, #tpu.memory_space<semaphore_mem>>) src(%dma_wait3A_160 : memref<2x200x32xf32, #tpu.memory_space<vmem>>) dst(%dma_wait3A_155 : memref<2x200x32xf32, #tpu.memory_space<hbm>>)
    %dma_wait3A_161 = arith.constant 3 : i32
    %dma_wait3A_162 = arith.constant 0 : i32
    %dma_wait3A_163 = arith.constant 0 : i32
    %dma_wait3A_164 = arith.constant 0 : i32
    %dma_wait3A_165 = tpu.memref_slice %arg6[%dma_wait3A_161, %dma_wait3A_162, %dma_wait3A_163, %dma_wait3A_164] : memref<4x2x200x32xf32, #tpu.memory_space<vmem>> -> memref<1x2x200x32xf32, #tpu.memory_space<vmem>>
    %dma_wait3A_166 = tpu.memref_squeeze %dma_wait3A_165 : memref<1x2x200x32xf32, #tpu.memory_space<vmem>> -> memref<2x200x32xf32, #tpu.memory_space<vmem>>
    %dma_wait3A_167 = arith.constant 0 : i32
    %dma_wait3A_168 = arith.constant 0 : i32
    %dma_wait3A_169 = arith.constant 0 : i32
    %dma_wait3A_170 = tpu.memref_slice %arg4[%dma_wait3A_167, %dma_wait3A_168, %dma_wait3A_169] : memref<16384x200x32xf32, #tpu.memory_space<hbm>> -> memref<2x200x32xf32, #tpu.memory_space<hbm>>
    %dma_wait3A_171 = arith.constant 0 : i32
    %dma_wait3A_172 = arith.constant 0 : i32
    %dma_wait3A_173 = arith.constant 0 : i32
    %dma_wait3A_174 = tpu.memref_slice %arg4[%dma_wait3A_171, %dma_wait3A_172, %dma_wait3A_173] : memref<16384x200x32xf32, #tpu.memory_space<hbm>> -> memref<2x200x32xf32, #tpu.memory_space<hbm>>
    %dma_wait3A_175 = arith.constant 0 : i32
    %dma_wait3A_176 = arith.constant 0 : i32
    %dma_wait3A_177 = arith.constant 0 : i32
    %dma_wait3A_178 = tpu.memref_slice %arg6[%dma_wait3A_161, %dma_wait3A_175, %dma_wait3A_176, %dma_wait3A_177] : memref<4x2x200x32xf32, #tpu.memory_space<vmem>> -> memref<1x2x200x32xf32, #tpu.memory_space<vmem>>
    %dma_wait3A_179 = tpu.memref_squeeze %dma_wait3A_178 : memref<1x2x200x32xf32, #tpu.memory_space<vmem>> -> memref<2x200x32xf32, #tpu.memory_space<vmem>>
    tpu.wait_dma2 semaphore(%arg18 : memref<!tpu.dma_semaphore, #tpu.memory_space<semaphore_mem>>) src(%dma_wait3A_179 : memref<2x200x32xf32, #tpu.memory_space<vmem>>) dst(%dma_wait3A_174 : memref<2x200x32xf32, #tpu.memory_space<hbm>>)
    return
  }
}

</mosaic_0001>

<sc_bundles>
// kernel: _run.3.cloned.1.call-start
scs
__scs_entry_jumppad:
0x0: {  	(pc) =	sbr.rel $0x88, $3  }
0x1: {  	(tag) =	ssettag $0x0;
	lr =	simm.s32 $0x1  }
0x2: {  	[smem:$0x3F9F] =	sst lr;
	_ =	strace $0xD0000000  }
0x3: {  	_ = 	snop  }
0x4: {  	_ = 	snop  }
0x5: {  	_ = 	snop  }
0x6: {  	_ = 	snop  }
0x7: {  	_ = 	snop  }
__scs_overlays_trampoline_lowered:
0x8: {  	[smem:$0x3FAE] =	sst s0  }
0x9: {  	[smem:$0x3FAF] =	sst s1  }
0xa: {  	[smem:$0x3FB0] =	sst s2  }
0xb: {  	[smem:$0x3FB1] =	sst s3  }
0xc: {  	[smem:$0x3FB2] =	sst s4  }
0xd: {  	[smem:$0x3FB3] =	sst s5  }
0xe: {  	[smem:$0x3FB4] =	sst s6  }
0xf: {  	[smem:$0x3FB5] =	sst s7  }
0x10: {  	[smem:$0x3FB6] =	sst s8  }
0x11: {  	[smem:$0x3FB7] =	sst s9;
	s0 =	simm.s32 @!p0 $0x0  }
0x12: {  	s1 =	sld [smem:$0x3F9D];
	s0 =	simm.s32 @p0 $0x1  }
0x13: {  	[smem:$0x3FB8] =	sst s0;
	s0 =	simm.s32 @!p1 $0x0  }
0x14: {  	s2 =	sld [smem:$0x3F9C];
	s0 =	simm.s32 @p1 $0x1  }
0x15: {  	[smem:$0x3FB9] =	sst s0;
	s0 =	simm.s32 @!p2 $0x0  }
0x16: {  	s3 =	sld [smem:$0x3FDB];
	s0 =	simm.s32 @p2 $0x1  }
0x17: {  	s4 =	simm.s32 $0x1BF5;
	[smem:$0x3FBB] =	sst s0  }
0x18: {  	s0 =	sld [smem:$0x3F9E];
	_ =	swait.ge [sflag:s4], $0x0  }
0x19: {  	s7 =	sld [smem:$0x3F9F]  }
0x1a: {  	s8 =	sadd.s32 $0xFFFFE003, lr  }
0x1b: {  	s9 =	sadd.s32 $0xFFFFFEF7, lr;
	s5 =	simm.s32 $0xFFFFFFFF;
	p2 =	slt.u32 s8, $0xFFFFF086  }
0x1c: {  	p1 =	slt.u32 s9, $0xF7A;
	s5 =	simm.s32 @!p2 $0x0  }
0x1d: {  	s5 =	simm.s32 @p1 $0x1;
	p0 =	seq.s32 s7, s2  }
0x1e: {  	s7 =	smul.u32 @!p0 $0xF7A, s2;
	p2 =	seq.s32 @!p0 s5, $0x0  }
0x1f: {  	s9 =	smul.u32 $0xF7A, s1;
	s8 =	simm.s32 @!p0 $0x1BF5;
	p2 =	por !p2, p0  }
0x20: {  	[sflag:s8] =	ssyncset.s32 @!p0 $0xFFFFF086;
	s6 =	sadd.s32 @!p0 s3, s7;
	s7 =	simm.s32 @!p0 $0x108  }
0x21: {  	s3 =	sadd.s32 s3, s9;
	s6 =	sadd.s32 @!p0 $0x88, s6;
	s7 =	simm.s32 @p2 $0x1082  }
0x22: {  	[simem:s7], [sflag:s8] =	dma.local @!p0 [hbm:s6], $0xF7A  }
0x23: {  	s9 =	sor.u32 $0xD0000000, s2;
	s6 =	simm.s32 $0x108;
	_ =	swait.ge @!p0 [sflag:s8], $0x0  }
0x24: {  	s3 =	sadd.s32 $0x88, s3;
	s6 =	simm.s32 @!p1 $0x1082;
	[sflag:s4] =	ssyncset.s32 $0xFFFFF086  }
0x25: {  	[simem:s6], [sflag:s4] =	dma.local [hbm:s3], $0xF7A  }
0x26: {  	[smem:$0x3F9F] =	sst s1;
	(tag) =	ssettag s2;
	_ =	strace s9  }
0x27: {  	s1 =	sld [smem:$0x3FAF]  }
0x28: {  	s2 =	sld [smem:$0x3FB0]  }
0x29: {  	s4 =	sld [smem:$0x3FB2]  }
0x2a: {  	p0 =	seq.s32 s5, $0x0;
	s5 =	sld [smem:$0x3FB3]  }
0x2b: {  	s6 =	sld [smem:$0x3FB4]  }
0x2c: {  	s7 =	sld [smem:$0x3FB5]  }
0x2d: {  	s3 =	simm.s32 $0x108;
	s8 =	sld [smem:$0x3FB6]  }
0x2e: {  	s3 =	simm.s32 @!p0 $0x1082;
	s9 =	sld [smem:$0x3FB7]  }
0x2f: {  	lr =	sadd.s32 s0, s3;
	s0 =	sld [smem:$0x3FAE]  }
0x30: {  	s3 =	sld [smem:$0x3FB1]  }
0x31: {  	[smem:$0x3FBA] =	sst s10  }
0x32: {  	s10 =	sld [smem:$0x3FB8];
	_ =	sdelay $0x3  }
0x33: {  	p0 =	seq.s32 s10, $0x1;
	s10 =	sld [smem:$0x3FBA];
	_ =	sdelay $0x3  }
0x34: {  	[smem:$0x3FBA] =	sst s10  }
0x35: {  	s10 =	sld [smem:$0x3FB9];
	_ =	sdelay $0x3  }
0x36: {  	p1 =	seq.s32 s10, $0x1;
	s10 =	sld [smem:$0x3FBA];
	_ =	sdelay $0x3  }
0x37: {  	[smem:$0x3FBA] =	sst s10  }
0x38: {  	s10 =	sld [smem:$0x3FBB]  }
0x39: {  	_ = 	snop;
	(pc) =	sbr.ind lr, $3  }
0x3a: {  	_ = 	snop  }
0x3b: {  	_ = 	snop  }
0x3c: {  	p2 =	seq.s32 s10, $0x1;
	s10 =	sld [smem:$0x3FBA]  }
0x3d: {  	_ =	shalt  }
0x3e: {  	_ =	shalt  }
0x3f: {  	_ =	shalt  }
0x40: {  	_ =	shalt  }
0x41: {  	_ =	shalt  }
0x42: {  	_ =	shalt  }
0x43: {  	_ =	shalt  }
0x44: {  	_ =	shalt  }
0x45: {  	_ =	shalt  }
0x46: {  	_ =	shalt  }
0x47: {  	_ =	shalt  }
0x48: {  	_ =	shalt  }
0x49: {  	_ =	shalt  }
0x4a: {  	_ =	shalt  }
0x4b: {  	_ =	shalt  }
0x4c: {  	_ =	shalt  }
0x4d: {  	_ =	shalt  }
0x4e: {  	_ =	shalt  }
0x4f: {  	_ =	shalt  }
0x50: {  	_ =	shalt  }
0x51: {  	_ =	shalt  }
0x52: {  	_ =	shalt  }
0x53: {  	_ =	shalt  }
0x54: {  	_ =	shalt  }
0x55: {  	_ =	shalt  }
0x56: {  	_ =	shalt  }
0x57: {  	_ =	shalt  }
0x58: {  	_ =	shalt  }
0x59: {  	_ =	shalt  }
0x5a: {  	_ =	shalt  }
0x5b: {  	_ =	shalt  }
0x5c: {  	_ =	shalt  }
0x5d: {  	_ =	shalt  }
0x5e: {  	_ =	shalt  }
0x5f: {  	_ =	shalt  }
0x60: {  	_ =	shalt  }
0x61: {  	_ =	shalt  }
0x62: {  	_ =	shalt  }
0x63: {  	_ =	shalt  }
0x64: {  	_ =	shalt  }
0x65: {  	_ =	shalt  }
0x66: {  	_ =	shalt  }
0x67: {  	_ =	shalt  }
0x68: {  	_ =	shalt  }
0x69: {  	_ =	shalt  }
0x6a: {  	_ =	shalt  }
0x6b: {  	_ =	shalt  }
0x6c: {  	_ =	shalt  }
0x6d: {  	_ =	shalt  }
0x6e: {  	_ =	shalt  }
0x6f: {  	_ =	shalt  }
0x70: {  	_ =	shalt  }
0x71: {  	_ =	shalt  }
0x72: {  	_ =	shalt  }
0x73: {  	_ =	shalt  }
0x74: {  	_ =	shalt  }
0x75: {  	_ =	shalt  }
0x76: {  	_ =	shalt  }
0x77: {  	_ =	shalt  }
0x78: {  	_ =	shalt  }
0x79: {  	_ =	shalt  }
0x7a: {  	_ =	shalt  }
0x7b: {  	_ =	shalt  }
0x7c: {  	_ =	shalt  }
0x7d: {  	_ =	shalt  }
0x7e: {  	_ =	shalt  }
0x7f: {  	_ =	shalt  }
0x80: {  	_ =	shalt  }
0x81: {  	_ =	shalt  }
0x82: {  	_ =	shalt  }
0x83: {  	_ =	shalt  }
0x84: {  	_ =	shalt  }
0x85: {  	_ =	shalt  }
0x86: {  	_ =	shalt  }
0x87: {  	_ =	shalt  }
.Lfunc_end0:
.L_simem_size_0:
called_computation.1_lowered:
.L_overlay_start_0:
0x88: {  	s2 =	sld [smem:$0x3FD9]  }
0x89: {  	s3 =	sld [smem:$0x3FFE];
	_ =	sdelay $0x1  }
0x8a: {  	s1 =	srdreg.scid  }
0x8b: {  	s0 =	sand.u32 $0x1, s1  }
0x8c: {  	s17 =	sshll.u32 s0, $0xA;
	s2 =	sadd.s32 s3, s2  }
0x8d: {  	s2 =	sadd.s32 s2, s17  }
0x8e: {  	[smem:$0x3FC6] =	sst s2  }
0x8f: {  	_ = 	snop  }
0x90: {  	s2 =	sld [smem:$0x3FD0];
	(tm) =	ssettm $0x1  }
0x91: {  	s18 =	sld [smem:$0x3FFB];
	_ =	sdelay $0x3  }
0x92: {  	_ =	strace s18  }
0x93: {  	s3 =	sld [smem:$0x3FFC];
	_ =	sdelay $0x3  }
0x94: {  	_ =	strace s3  }
0x95: {  	s3 =	sld [smem:$0x3FFD];
	_ =	sdelay $0x3  }
0x96: {  	_ =	strace s3  }
0x97: {  	_ =	strace $0x8FFFFFFF  }
0x98: {  	s19 =	sld [smem:$0x3FDB];
	_ =	sdelay $0x1  }
0x99: {  	s4 =	simm.s32 $_scs_section_size  }
0x9a: {  	s5 =	simm.s32 $_size__tile_overlayer_lowered;
	s6 =	simm.s32 $_tile_overlayer_lowered  }
0x9b: {  	s22 =	simm.s32 $0x1BFF;
	s21 =	sshll.u32 s6, $0x1;
	s3 =	sadd.s32 s4, s19  }
0x9c: {  	s7 =	simm.s32 $0x0;
	s20 =	sshll.u32 s5, $0x1;
	s5 =	sadd.s32 s21, s3  }
0x9d: {  	[timem:s7], [sflag:s22] =	dma.local [hbm:s5], s20  }
0x9e: {  	_ =	swait.ge [sflag:s22], s20  }
0x9f: {  	s4 =	ssub.s32 $0x0, s20;
	[sflag:s22] =	ssyncset.done $0x0  }
0xa0: {  	[sflag:s22] =	ssyncadd.s32 s4;
	_ =	sdelay $0x1  }
0xa1: {  	s23 =	simm.s32 $0x1B8B  }
0xa2: {  	_ =	swait.ge [sflag:s23], $0x1  }
0xa3: {  	[sflag:s23] =	ssyncset.done $0x0  }
0xa4: {  	s25 =	simm.s32 $0x1B8E;
	s24 =	sld [smem:$0x3FFE];
	[sflag:s23] =	ssyncadd.s32 $0xFFFFFFFF  }
0xa5: {  	s26 =	simm.s32 $execute0_lowered;
	[smem:$0x3FD2] =	sst s25  }
0xa6: {  	s5 =	sshll.u32 s26, $0x1;
	_ =	strace $0x80000046;
	[dreg:$0x1] =	wrdreg $0xFFFFFFFF  }
0xa7: {  	s28 =	simm.s32 $_size_execute0_lowered;
	s3 =	sadd.s32 s3, s5;
	[dreg:$0x0] =	wrdreg $0x0  }
0xa8: {  	s5 =	sshll.u32 s28, $0x1;
	[dreg:$0x2] =	wrdreg s3  }
0xa9: {  	[dreg:$0x3] =	wrdreg s5  }
0xaa: {  	[dreg:$0x4] =	wrdreg $0xC0  }
0xab: {  	_ =	task [dreg:s7], $0x5FFFF  }
0xac: {  	[dreg:$0x1] =	wrdreg $0xFFFFFFFF  }
0xad: {  	[dreg:$0x0] =	wrdreg $0x60  }
0xae: {  	[dreg:$0x2] =	wrdreg s24  }
0xaf: {  	[dreg:$0x3] =	wrdreg s2  }
0xb0: {  	[dreg:$0x4] =	wrdreg $0x9  }
0xb1: {  	_ =	task.clear_ibuf [dreg:s7], $0x5FFFF;
	_ =	strace $0x90000046  }
0xb2: {  	s29 =	simm.s32 $0x9;
	_ =	strace $0x80000048  }
0xb3: {  	_ =	swait.ge [sflag:s29], $0x1  }
0xb4: {  	[sflag:s29] =	ssyncadd.s32 $0xFFFFFFFF  }
0xb5: {  	_ =	strace $0x90000048  }
0xb6: {  	_ =	sfence  }
0xb7: {  	s30 =	sld [smem:$0x0];
	_ =	sdelay $0x2  }
0xb8: {  	s31 =	sshll.u32 s1, $0xD;
	s1 =	sshrl.u32 s1, $0x2  }
0xb9: {  	s3 =	sand.u32 $0x4000, s31;
	s1 =	sadd.s32 s1, s30  }
0xba: {  	s0 =	sor.u32 s3, s0;
	s1 =	sshll.u32 s1, $0x11  }
0xbb: {  	s0 =	sor.u32 s1, s0  }
0xbc: {  	s0 =	sadd.s32 $0x8F2B, s0  }
0xbd: {  	[sflag:s0] =	ssyncadd.remote.s32 $0x1  }
0xbe: {  	_ =	sfence.sel $0xFFFF  }
0xbf: {  	[dreg:$0x0] =	wrdreg $0xFFFFFFFF;
	(pc) =	sbr.abs _section_cstart, $3  }
0xc0: {  	[dreg:$0x1] =	wrdreg $0xFFFFFFFF  }
0xc1: {  	_ =	task.clear_ibuf [dreg:s7], $0x2FFFF;
	_ =	strace $0x9FFFFFFF  }
0xc2: {  	(tm) =	ssettm $0x7FFFFFFF  }
0xc3: {  	_ =	shalt  }
tec
execute0_lowered:
.L_overlay_start_1:
0x0: {  	(tag) =	ssettag $0x1  }
0x1: {  	s0 =	rddreg [dreg:$0x0]  }
0x2: {  	s10 =	rddreg [dreg:$0x1]  }
0x3: {  	s1 =	srdreg.scid;
	s3 =	simm.s32 $0x0;
	s9 =	stileid.u32  }
0x4: {  	s14 =	simm.s32 $0x190;
	s15 =	simm.s32 $0x320;
	s17 =	simm.s32 $0x1  }
0x5: {  	s18 =	simm.s32 $0x80;
	s19 =	simm.s32 $0x3840;
	s20 =	simm.s32 $0x48  }
0x6: {  	s28 =	simm.s32 $0x5;
	s30 =	simm.s32 $0x3;
	s31 =	simm.s32 $0xB  }
0x7: {  	s13 =	simm.s32 $0x4;
	s16 =	simm.s32 $0x578;
	s1 =	sand.u32 $0x1, s1  }
0x8: {  	[smem:$0x7FF] =	sst s3;
	s2 =	sshll.u32 s9, $0xA;
	s22 =	smul.u32 $0x6400, s9  }
0x9: {  	s5 =	sadd.s32 $0x1800, s0;
	s9 =	smul.u32 $0xC8000, s9;
	s4 =	sshll.u32 s1, $0x9  }
0xa: {  	_ =	strace $0x80000047;
	s6 =	ssub.s32 $0x2, s1;
	s8 =	smul.u32 $0x3200, s1  }
0xb: {  	s1 =	smul.u32 $0x64000, s1;
	s2 =	sor.u32 s4, s2;
	s4 =	sadd.s32 $0x65800, s0  }
0xc: {  	s21 =	sshrl.u32 s6, $0x1;
	s24 =	sadd.s32 s22, s5;
	s7 =	smul.u32 $0x19, s2  }
0xd: {  	s25 =	sadd.s32 s9, s10;
	s22 =	simm.s32 $0xAC40;
	s2 =	smul.u32 $0x1900, s2  }
0xe: {  	s0 =	ssub.s32 s6, s21;
	s26 =	sadd.s32 s1, s25;
	s25 =	simm.s32 $0xC540  }
0xf: {  	s6 =	simm.s32 $0x0;
	s0 =	smax.u32 s0, $0x1;
	[dreg:$0x9] =	wrdreg s26  }
0x10: {  	s26 =	simm.s32 $0x7;
	s11 =	sadd.s32 s5, s7;
	[dreg:$0x8] =	wrdreg s0  }
0x11: {  	s23 =	sshrl.u32 s2, $0x3;
	s29 =	sadd.s32 $0xFFFFCE00, s2;
	[dreg:$0x3] =	wrdreg s11  }
0x12: {  	s0 =	simm.s32 $0x6A40;
	s7 =	sadd.s32 $0x32, s11;
	[dreg:$0xa] =	wrdreg s29  }
.Ltmp0:
0x13: {  	s12 =	sadd.s32 $0x64, s11;
	[dreg:$0x4] =	wrdreg s7;
	(pc) =	sbr.rel .LBB2_1-.Ltmp0, $4  }
0x14: {  	s5 =	simm.s32 $0xC;
	s11 =	sadd.s32 $0x96, s11;
	[dreg:$0x5] =	wrdreg s12  }
0x15: {  	s2 =	simm.s32 $0x9C40;
	s7 =	sadd.s32 s10, s23;
	[dreg:$0x6] =	wrdreg s11  }
0x16: {  	s11 =	sadd.s32 s8, s24;
	s12 =	simm.s32 $0x6;
	s7 =	sadd.s32 $0x639C0, s7  }
0x17: {  	s23 =	simm.s32 $0xB540;
	s24 =	simm.s32 $0x5F8;
	[dreg:$0x7] =	wrdreg s7  }
.LBB2_12:
0x18: {  	s1 =	simm.s32 $0x8  }
0x19: {  	_ =	swait.ge [sflag:s1], $0x3200  }
0x1a: {  	[sflag:s1] =	ssyncset.done $0x0  }
0x1b: {  	s10 =	simm.s32 $0x9;
	s9 =	rddreg [dreg:$0x7];
	[sflag:s1] =	ssyncadd.s32 $0xFFFFCE00  }
0x1c: {  	[hbm4b:s9+s3] =	stream.linear.scatter [tilespmem:s2], [sflag:$0xC], $0x3200, $0x38;
	[tilespmem:$0xCE40] =	vst v63  }
0x1d: {  	_ =	swait.ge [sflag:s10], $0x3200  }
0x1e: {  	[sflag:s10] =	ssyncset.done $0x0  }
0x1f: {  	s21 =	simm.s32 $0xA;
	[sflag:s10] =	ssyncadd.s32 $0xFFFFCE00  }
0x20: {  	_ =	swait.ge [sflag:s21], $0x3200  }
0x21: {  	[sflag:s21] =	ssyncset.done $0x0  }
0x22: {  	[sflag:s21] =	ssyncadd.s32 $0xFFFFCE00  }
0x23: {  	_ =	swait.ge [sflag:s31], $0x3200  }
0x24: {  	[sflag:s31] =	ssyncset.done $0x0  }
0x25: {  	[sflag:s31] =	ssyncadd.s32 $0xFFFFCE00  }
0x26: {  	_ =	swait.ge [sflag:s5], $0x3200  }
0x27: {  	s6 =	rddreg [dreg:$0xb]  }
0x28: {  	s29 =	rddreg [dreg:$0x8];
	s6 =	sadd.s32 $0x1, s6  }
0x29: {  	p0 =	sne.s32 s6, s29  }
.Ltmp1:
0x2a: {  	_ = 	snop;
	(pc) =	sbr.rel @!p0 .LBB2_13-.Ltmp1, $3  }
0x2b: {  	_ =	sdelay $0x1  }
0x2c: {  	[sflag:s5] =	ssyncset.done $0x0  }
0x2d: {  	[sflag:s5] =	ssyncadd.s32 $0xFFFFCE00  }
.LBB2_1:
0x2e: {  	[dreg:$0xb] =	wrdreg s6  }
0x2f: {  	s1 =	rddreg [dreg:$0x3]  }
0x30: {  	s8 =	rddreg [dreg:$0x4]  }
0x31: {  	s9 =	rddreg [dreg:$0x5]  }
0x32: {  	[tilespmem:s3], [sflag:$0x1] =	stream.linear.gather [hbm4b:s1+s3], $0x190, $0x38;
	[tilespmem:$0xCE40] =	vst v63  }
0x33: {  	s10 =	rddreg [dreg:$0x6]  }
0x34: {  	[tilespmem:s14], [sflag:$0x2] =	stream.linear.gather [hbm4b:s8+s3], $0x190, $0x38;
	[tilespmem:$0xCE40] =	vst v63  }
0x35: {  	s29 =	rddreg [dreg:$0xa]  }
0x36: {  	[tilespmem:s15], [sflag:$0x3] =	stream.linear.gather [hbm4b:s9+s3], $0x190, $0x38;
	[tilespmem:$0xCE40] =	vst v63  }
0x37: {  	s21 =	simm.s32 $0x4B0;
	s6 =	simm.s32 $0x0;
	s1 =	rddreg [dreg:$0x9]  }
0x38: {  	[tilespmem:s21], [sflag:$0x4] =	stream.linear.gather [hbm4b:s10+s3], $0x190, $0x38;
	[tilespmem:$0xCE40] =	vst v63  }
.LBB2_2:
0x39: {  	_ =	swait.ge [sflag:s17], $0x190;
	p0 =	seq.s32 s6, $0x0  }
0x3a: {  	[sflag:s17] =	ssyncset.done $0x0;
	s7 =	simm.s32 @p0 $0x80  }
0x3b: {  	s8 =	simm.s32 @p0 $0x0;
	s9 =	simm.s32 @p0 $0x640;
	[sflag:s17] =	ssyncadd.s32 $0xFFFFFE70  }
0x3c: {  	[tilespmem:s9], [sflag:$0x5] =	stream.indirect.gather @p0 [hbm4b:s4+s7], $0x20, s8, s7, $0xb8;
	[tilespmem:$0xCE40] =	vst v63  }
0x3d: {  	s8 =	simm.s32 @p0 $0x48;
	s9 =	simm.s32 @p0 $0x1640  }
0x3e: {  	[tilespmem:s9], [sflag:$0x5] =	stream.indirect.gather @p0 [hbm4b:s4+s8], $0x20, s7, s8, $0xb8;
	[tilespmem:$0xCE40] =	vst v63  }
0x3f: {  	s10 =	simm.s32 @p0 $0x1F40;
	s9 =	simm.s32 @p0 $0xC8  }
0x40: {  	[tilespmem:s10], [sflag:$0x5] =	stream.indirect.gather @p0 [hbm4b:s4+s7], $0x20, s9, s7, $0xb8;
	[tilespmem:$0xCE40] =	vst v63  }
0x41: {  	s7 =	simm.s32 @p0 $0x148;
	s9 =	simm.s32 @p0 $0x2F40  }
0x42: {  	[tilespmem:s9], [sflag:$0x5] =	stream.indirect.gather @p0 [hbm4b:s4+s8], $0x20, s7, s8, $0xb8;
	[tilespmem:$0xCE40] =	vst v63  }
0x43: {  	s7 =	simm.s32 @p0 $0x2  }
0x44: {  	_ =	swait.ge @p0 [sflag:s7], $0x190  }
0x45: {  	[sflag:s7] =	ssyncset.done @p0 $0x0  }
0x46: {  	[sflag:s7] =	ssyncadd.s32 @p0 $0xFFFFFE70;
	s7 =	simm.s32 @!p0 $0x9  }
0x47: {  	_ =	swait.ge @!p0 [sflag:s7], $0x3200  }
0x48: {  	s8 =	simm.s32 @!p0 $0x0;
	[sflag:s7] =	ssyncset.done @!p0 $0x0  }
0x49: {  	s9 =	simm.s32 @!p0 $0x640;
	[sflag:s7] =	ssyncadd.s32 @!p0 $0xFFFFCE00;
	s7 =	simm.s32 @!p0 $0x80  }
0x4a: {  	[tilespmem:s9], [sflag:$0x5] =	stream.indirect.gather @!p0 [hbm4b:s4+s7], $0x20, s8, s7, $0xb8;
	[tilespmem:$0xCE40] =	vst v63  }
0x4b: {  	s10 =	simm.s32 @!p0 $0x1640;
	s9 =	simm.s32 @!p0 $0x48  }
0x4c: {  	[tilespmem:s10], [sflag:$0x5] =	stream.indirect.gather @!p0 [hbm4b:s4+s9], $0x20, s7, s9, $0xb8;
	[tilespmem:$0xCE40] =	vst v63  }
0x4d: {  	s21 =	simm.s32 @!p0 $0x1F40;
	s10 =	simm.s32 @!p0 $0xC8  }
0x4e: {  	[tilespmem:s21], [sflag:$0x5] =	stream.indirect.gather @!p0 [hbm4b:s4+s7], $0x20, s10, s7, $0xb8;
	[tilespmem:$0xCE40] =	vst v63  }
0x4f: {  	s7 =	simm.s32 @!p0 $0x148;
	s10 =	simm.s32 @!p0 $0x2F40  }
0x50: {  	[tilespmem:s10], [sflag:$0x5] =	stream.indirect.gather @!p0 [hbm4b:s4+s9], $0x20, s7, s9, $0xb8;
	[tilespmem:$0xCE40] =	vst v63  }
0x51: {  	s7 =	simm.s32 @!p0 $0x8  }
0x52: {  	_ =	swait.ge @!p0 [sflag:s7], $0x3200  }
0x53: {  	[sflag:s7] =	ssyncset.done @!p0 $0x0  }
0x54: {  	[sflag:s7] =	ssyncadd.s32 @!p0 $0xFFFFCE00  }
0x55: {  	s9 =	sshrl.u32 @!p0 s29, $0x3;
	s7 =	rddreg [dreg:$0x1]  }
0x56: {  	s7 =	sadd.s32 @!p0 s7, s9;
	s9 =	simm.s32 @!p0 $0x9C40  }
0x57: {  	[hbm4b:s7+s8] =	stream.linear.scatter @!p0 [tilespmem:s9], [sflag:$0xC], $0x3200, $0x38;
	[tilespmem:$0xCE40] =	vst v63  }
0x58: {  	s7 =	sadd.s32 @!p0 s6, s11  }
0x59: {  	s9 =	simm.s32 @!p0 $0x4B0;
	s7 =	sadd.s32 @!p0 $0x96, s7  }
0x5a: {  	[tilespmem:s9], [sflag:$0x4] =	stream.linear.gather @!p0 [hbm4b:s7+s8], $0x190, $0x38;
	[tilespmem:$0xCE40] =	vst v63  }
0x5b: {  	s7 =	simm.s32 @!p0 $0x2  }
0x5c: {  	_ =	swait.ge @!p0 [sflag:s7], $0x190  }
0x5d: {  	[sflag:s7] =	ssyncset.done @!p0 $0x0  }
0x5e: {  	[sflag:s7] =	ssyncadd.s32 @!p0 $0xFFFFFE70;
	s7 =	simm.s32 @!p0 $0xA  }
0x5f: {  	_ =	swait.ge @!p0 [sflag:s7], $0x3200  }
0x60: {  	[sflag:s7] =	ssyncset.done @!p0 $0x0  }
0x61: {  	[sflag:s7] =	ssyncadd.s32 @!p0 $0xFFFFCE00  }
0x62: {  	[tilespmem:s19], [sflag:$0x6] =	stream.indirect.gather [hbm4b:s4+s18], $0x20, s14, s18, $0xb8;
	[tilespmem:$0xCE40] =	vst v63  }
0x63: {  	s8 =	simm.s32 $0x210;
	s9 =	simm.s32 $0x4840  }
0x64: {  	[tilespmem:s9], [sflag:$0x6] =	stream.indirect.gather [hbm4b:s4+s20], $0x20, s8, s20, $0xb8;
	[tilespmem:$0xCE40] =	vst v63  }
0x65: {  	s21 =	simm.s32 $0x5140;
	s10 =	simm.s32 $0x258  }
0x66: {  	[tilespmem:s21], [sflag:$0x6] =	stream.indirect.gather [hbm4b:s4+s18], $0x20, s10, s18, $0xb8;
	[tilespmem:$0xCE40] =	vst v63  }
0x67: {  	p1 =	sne.s32 s6, $0x3138;
	s9 =	simm.s32 $0x2D8;
	s10 =	simm.s32 $0x6140  }
0x68: {  	[tilespmem:s10], [sflag:$0x6] =	stream.indirect.gather [hbm4b:s4+s20], $0x20, s9, s20, $0xb8;
	[tilespmem:$0xCE40] =	vst v63  }
.Ltmp2:
0x69: {  	_ = 	snop;
	(pc) =	sbr.rel @p1 .LBB2_4-.Ltmp2, $4  }
0x6a: {  	_ =	swait.ge [sflag:s28], $0x3200  }
0x6b: {  	[sflag:s28] =	ssyncset.done $0x0  }
0x6c: {  	s21 =	simm.s32 $0x640;
	[sflag:s28] =	ssyncadd.s32 $0xFFFFCE00  }
0x6d: {  	[hbm4b:s1+s3] =	stream.linear.scatter [tilespmem:s21], [sflag:$0x9], $0x3200, $0x38;
	[tilespmem:$0xCE40] =	vst v63  }
.Ltmp3:
0x6e: {  	(pc) =	sbr.rel .LBB2_5-.Ltmp3, $4  }
0x6f: {  	_ = 	snop  }
0x70: {  	_ =	swait.ge [sflag:s30], $0x190  }
0x71: {  	[sflag:s30] =	ssyncset.done $0x0  }
0x72: {  	[sflag:s30] =	ssyncadd.s32 $0xFFFFFE70  }
.LBB2_4:
0x73: {  	s7 =	sadd.s32 s6, s11  }
.Ltmp4:
0x74: {  	s7 =	sadd.s32 $0xC8, s7;
	(pc) =	sbr.rel @p0 .LBB2_6-.Ltmp4, $4  }
0x75: {  	[tilespmem:s3], [sflag:$0x1] =	stream.linear.gather [hbm4b:s7+s3], $0x190, $0x38;
	[tilespmem:$0xCE40] =	vst v63  }
0x76: {  	_ =	swait.ge [sflag:s30], $0x190  }
0x77: {  	[sflag:s30] =	ssyncset.done $0x0  }
0x78: {  	[sflag:s30] =	ssyncadd.s32 $0xFFFFFE70  }
.LBB2_5:
0x79: {  	_ =	swait.ge [sflag:s31], $0x3200  }
0x7a: {  	[sflag:s31] =	ssyncset.done $0x0  }
0x7b: {  	[sflag:s31] =	ssyncadd.s32 $0xFFFFCE00  }
.LBB2_6:
0x7c: {  	[tilespmem:s0], [sflag:$0x7] =	stream.indirect.gather [hbm4b:s4+s18], $0x20, s15, s18, $0xb8;
	[tilespmem:$0xCE40] =	vst v63  }
0x7d: {  	s7 =	simm.s32 $0x3A0;
	s8 =	simm.s32 $0x7A40  }
0x7e: {  	[tilespmem:s8], [sflag:$0x7] =	stream.indirect.gather [hbm4b:s4+s20], $0x20, s7, s20, $0xb8;
	[tilespmem:$0xCE40] =	vst v63  }
0x7f: {  	s10 =	simm.s32 $0x3E8;
	s21 =	simm.s32 $0x8340  }
0x80: {  	[tilespmem:s21], [sflag:$0x7] =	stream.indirect.gather [hbm4b:s4+s18], $0x20, s10, s18, $0xb8;
	[tilespmem:$0xCE40] =	vst v63  }
0x81: {  	s9 =	simm.s32 $0x468;
	s10 =	simm.s32 $0x9340  }
0x82: {  	[tilespmem:s10], [sflag:$0x7] =	stream.indirect.gather [hbm4b:s4+s20], $0x20, s9, s20, $0xb8;
	[tilespmem:$0xCE40] =	vst v63  }
.Ltmp5:
0x83: {  	_ = 	snop;
	(pc) =	sbr.rel @p1 .LBB2_8-.Ltmp5, $4  }
0x84: {  	_ =	swait.ge [sflag:s12], $0x3200  }
0x85: {  	[sflag:s12] =	ssyncset.done $0x0  }
0x86: {  	s21 =	sadd.s32 $0x640, s1;
	[sflag:s12] =	ssyncadd.s32 $0xFFFFCE00  }
0x87: {  	[hbm4b:s21+s3] =	stream.linear.scatter [tilespmem:s19], [sflag:$0xA], $0x3200, $0x38;
	[tilespmem:$0xCE40] =	vst v63  }
.Ltmp6:
0x88: {  	(pc) =	sbr.rel .LBB2_9-.Ltmp6, $4  }
0x89: {  	_ = 	snop  }
0x8a: {  	_ =	swait.ge [sflag:s13], $0x190  }
0x8b: {  	[sflag:s13] =	ssyncset.done $0x0  }
0x8c: {  	[sflag:s13] =	ssyncadd.s32 $0xFFFFFE70  }
.LBB2_8:
0x8d: {  	s7 =	sadd.s32 s6, s11  }
.Ltmp7:
0x8e: {  	s7 =	sadd.s32 $0xFA, s7;
	(pc) =	sbr.rel @p0 .LBB2_10-.Ltmp7, $4  }
0x8f: {  	[tilespmem:s14], [sflag:$0x2] =	stream.linear.gather [hbm4b:s7+s3], $0x190, $0x38;
	[tilespmem:$0xCE40] =	vst v63  }
0x90: {  	_ =	swait.ge [sflag:s13], $0x190  }
0x91: {  	[sflag:s13] =	ssyncset.done $0x0  }
0x92: {  	[sflag:s13] =	ssyncadd.s32 $0xFFFFFE70  }
.LBB2_9:
0x93: {  	_ =	swait.ge [sflag:s5], $0x3200  }
0x94: {  	[sflag:s5] =	ssyncset.done $0x0  }
0x95: {  	[sflag:s5] =	ssyncadd.s32 $0xFFFFCE00  }
.LBB2_10:
0x96: {  	s7 =	simm.s32 $0x4B0  }
0x97: {  	[tilespmem:s2], [sflag:$0x8] =	stream.indirect.gather [hbm4b:s4+s18], $0x20, s7, s18, $0xb8;
	[tilespmem:$0xCE40] =	vst v63  }
0x98: {  	s10 =	simm.s32 $0x530  }
0x99: {  	[tilespmem:s22], [sflag:$0x8] =	stream.indirect.gather [hbm4b:s4+s20], $0x20, s10, s20, $0xb8;
	[tilespmem:$0xCE40] =	vst v63  }
0x9a: {  	_ = 	snop  }
0x9b: {  	[tilespmem:s23], [sflag:$0x8] =	stream.indirect.gather [hbm4b:s4+s18], $0x20, s16, s18, $0xb8;
	[tilespmem:$0xCE40] =	vst v63  }
0x9c: {  	p0 =	seq.s32 s6, $0x3138  }
0x9d: {  	[tilespmem:s25], [sflag:$0x8] =	stream.indirect.gather [hbm4b:s4+s20], $0x20, s24, s20, $0xb8;
	[tilespmem:$0xCE40] =	vst v63  }
.Ltmp8:
0x9e: {  	_ = 	snop;
	(pc) =	sbr.rel @p0 .LBB2_12-.Ltmp8, $4  }
0x9f: {  	_ =	swait.ge [sflag:s26], $0x3200  }
0xa0: {  	[sflag:s26] =	ssyncset.done $0x0  }
0xa1: {  	s21 =	sadd.s32 $0xC80, s1;
	[sflag:s26] =	ssyncadd.s32 $0xFFFFCE00  }
0xa2: {  	[hbm4b:s21+s3] =	stream.linear.scatter [tilespmem:s0], [sflag:$0xB], $0x3200, $0x38;
	[tilespmem:$0xCE40] =	vst v63  }
.Ltmp9:
0xa3: {  	(pc) =	sbr.rel .LBB2_2-.Ltmp9, $4  }
0xa4: {  	_ = 	snop  }
0xa5: {  	s7 =	sadd.s32 s6, s11;
	s6 =	sadd.s32 $0xC8, s6  }
0xa6: {  	s1 =	sadd.s32 $0x1900, s1;
	s29 =	sadd.s32 $0xC800, s29;
	s7 =	sadd.s32 $0x12C, s7  }
0xa7: {  	[tilespmem:s15], [sflag:$0x3] =	stream.linear.gather [hbm4b:s7+s3], $0x190, $0x38;
	[tilespmem:$0xCE40] =	vst v63  }
.LBB2_13:
0xa8: {  	_ =	sfence.sel $0x180000  }
0xa9: {  	[bflag:$0x0] =	sbarrier.arrive $0xFFFF  }
0xaa: {  	_ =	strace $0x90000047  }
0xab: {  	s0 =	stileid.u32;
	[bflag:$0x2] =	sbarrier.arrive $0xFFFF  }
0xac: {  	p0 =	sne.s32 s0, $0x0;
	s0 =	rddreg [dreg:$0x2]  }
0xad: {  	s0 =	sadd.s32 @!p0 $0x100000, s0  }
0xae: {  	[sflag:s0] =	ssyncadd.tile.s32 @!p0 $0x1;
	_ =	shalt  }
.Lfunc_end2:
_tile_overlayer_lowered:
.L_overlay_start_2:
0xaf: {  	(tag) =	ssettag $0x2  }
0xb0: {  	s0 =	rddreg [dreg:$0x0];
	s2 =	stileid.u32  }
0xb1: {  	s1 =	rddreg [dreg:$0x1];
	p0 =	sne.s32 s2, $0x0  }
0xb2: {  	s3 =	rddreg [dreg:$0x2];
	[bflag:$0x3] =	sbarrier.arrive $0xFFFF;
	s2 =	simm.s32 @!p0 $0x1C0D  }
0xb3: {  	[timem:s3], [sflag:s2] =	dma.local @!p0 [hbm:s0], s1  }
0xb4: {  	s0 =	simm.s32 @!p0 $0xD  }
0xb5: {  	_ =	swait.ge @!p0 [sflag:s0], s1  }
0xb6: {  	s1 =	ssub.s32 @!p0 $0x0, s1;
	[sflag:s0] =	ssyncset.done @!p0 $0x0  }
0xb7: {  	[sflag:s0] =	ssyncadd.s32 @!p0 s1  }
0xb8: {  	[bflag:$0x3] =	sbarrier.arrive $0xFFFF  }
0xb9: {  	_ =	shalt  }

// kernel: sparse-core-data-format-call.cloned.1.call-start
scs
called_computation_lowered:
.L_overlay_start_0:
0x0: {  	s2 =	sld [smem:$0x3FD9]  }
0x1: {  	s3 =	sld [smem:$0x3FFE];
	_ =	sdelay $0x1  }
0x2: {  	s1 =	srdreg.scid  }
0x3: {  	s0 =	sand.u32 $0x1, s1  }
0x4: {  	s18 =	sshll.u32 s0, $0xA;
	s2 =	sadd.s32 s3, s2  }
0x5: {  	s2 =	sadd.s32 s2, s18  }
0x6: {  	[smem:$0x3FC6] =	sst s2  }
0x7: {  	_ = 	snop  }
0x8: {  	s2 =	sld [smem:$0x3FD0];
	(tm) =	ssettm $0x1  }
0x9: {  	s19 =	sld [smem:$0x3FFB];
	_ =	sdelay $0x3  }
0xa: {  	_ =	strace s19  }
0xb: {  	s3 =	sld [smem:$0x3FFC];
	_ =	sdelay $0x3  }
0xc: {  	_ =	strace s3  }
0xd: {  	s3 =	sld [smem:$0x3FFD];
	_ =	sdelay $0x3  }
0xe: {  	_ =	strace s3  }
0xf: {  	_ =	strace $0x8FFFFFFF  }
0x10: {  	s20 =	sld [smem:$0x3FDB];
	_ =	sdelay $0x1  }
0x11: {  	s4 =	simm.s32 $_scs_section_size  }
0x12: {  	s5 =	simm.s32 $_size__tile_overlayer_lowered;
	s6 =	simm.s32 $_tile_overlayer_lowered  }
0x13: {  	s23 =	simm.s32 $0x1BFF;
	s22 =	sshll.u32 s6, $0x1;
	s3 =	sadd.s32 s4, s20  }
0x14: {  	s7 =	simm.s32 $0x0;
	s21 =	sshll.u32 s5, $0x1;
	s5 =	sadd.s32 s22, s3  }
0x15: {  	[timem:s7], [sflag:s23] =	dma.local [hbm:s5], s21  }
0x16: {  	_ =	swait.ge [sflag:s23], s21  }
0x17: {  	s4 =	ssub.s32 $0x0, s21;
	[sflag:s23] =	ssyncset.done $0x0  }
0x18: {  	[sflag:s23] =	ssyncadd.s32 s4;
	_ =	sdelay $0x1  }
0x19: {  	s24 =	simm.s32 $0x1B8B  }
0x1a: {  	_ =	swait.ge [sflag:s24], $0x1  }
0x1b: {  	[sflag:s24] =	ssyncset.done $0x0  }
0x1c: {  	s26 =	simm.s32 $0x1B8E;
	s25 =	sld [smem:$0x3FFE];
	[sflag:s24] =	ssyncadd.s32 $0xFFFFFFFF  }
0x1d: {  	s27 =	simm.s32 $execute0_lowered;
	[smem:$0x3FD2] =	sst s26  }
0x1e: {  	s5 =	sshll.u32 s27, $0x1;
	_ =	strace $0x80000049;
	[dreg:$0x1] =	wrdreg $0xFFFFFFFF  }
0x1f: {  	s28 =	simm.s32 $_size_execute0_lowered;
	s3 =	sadd.s32 s3, s5;
	[dreg:$0x0] =	wrdreg $0x0  }
0x20: {  	s5 =	sshll.u32 s28, $0x1;
	[dreg:$0x2] =	wrdreg s3  }
0x21: {  	[dreg:$0x3] =	wrdreg s5  }
0x22: {  	[dreg:$0x4] =	wrdreg $0xC0  }
0x23: {  	_ =	task [dreg:s7], $0x5FFFF  }
0x24: {  	[dreg:$0x1] =	wrdreg $0xFFFFFFFF  }
0x25: {  	[dreg:$0x0] =	wrdreg $0x60  }
0x26: {  	[dreg:$0x2] =	wrdreg s25  }
0x27: {  	[dreg:$0x3] =	wrdreg s2  }
0x28: {  	[dreg:$0x4] =	wrdreg $0x9  }
0x29: {  	_ =	task.clear_ibuf [dreg:s7], $0x5FFFF;
	_ =	strace $0x90000049  }
0x2a: {  	s29 =	simm.s32 $0x9;
	_ =	strace $0x8000004B  }
0x2b: {  	_ =	swait.ge [sflag:s29], $0x1  }
0x2c: {  	[sflag:s29] =	ssyncadd.s32 $0xFFFFFFFF  }
0x2d: {  	_ =	strace $0x9000004B  }
0x2e: {  	_ =	sfence  }
0x2f: {  	s30 =	sld [smem:$0x0];
	_ =	sdelay $0x2  }
0x30: {  	s31 =	sshll.u32 s1, $0xD;
	s1 =	sshrl.u32 s1, $0x2  }
0x31: {  	s3 =	sand.u32 $0x4000, s31;
	s1 =	sadd.s32 s1, s30  }
0x32: {  	s0 =	sor.u32 s3, s0;
	s1 =	sshll.u32 s1, $0x11  }
0x33: {  	s0 =	sor.u32 s1, s0  }
0x34: {  	s0 =	sadd.s32 $0x8F2B, s0  }
0x35: {  	[sflag:s0] =	ssyncadd.remote.s32 $0x1  }
0x36: {  	_ =	sfence.sel $0xFFFF  }
0x37: {  	[dreg:$0x0] =	wrdreg $0xFFFFFFFF;
	(pc) =	sbr.abs _section_cstart, $3  }
0x38: {  	[dreg:$0x1] =	wrdreg $0xFFFFFFFF  }
0x39: {  	_ =	task.clear_ibuf [dreg:s7], $0x2FFFF;
	_ =	strace $0x9FFFFFFF  }
0x3a: {  	(tm) =	ssettm $0x7FFFFFFF  }
0x3b: {  	_ =	shalt  }
tec
execute0_lowered:
.L_overlay_start_1:
0x0: {  	(tag) =	ssettag $0x1  }
0x1: {  	s0 =	srdreg.scid  }
0x2: {  	s1 =	sshll.u32 s0, $0x4  }
0x3: {  	s0 =	stileid.u32;
	s1 =	sand.u32 $0x10, s1  }
0x4: {  	s1 =	sor.u32 s0, s1  }
0x5: {  	s6 =	rddreg [dreg:$0x0];
	s4 =	simm.s32 $0x1;
	s2 =	sshll.u32 s1, $0x7  }
0x6: {  	s7 =	simm.s32 $0x2;
	s12 =	simm.s32 $0x0;
	s1 =	ssub.s32 $0x4000, s2  }
0x7: {  	s8 =	simm.s32 $0x20000;
	s13 =	simm.s32 $0x0;
	s3 =	sand.u32 $0xF80, s1  }
0x8: {  	s9 =	simm.s32 $0x0;
	s5 =	sshrl.u32 s1, $0xC;
	p0 =	sne.s32 s3, $0x0  }
.Ltmp0:
0x9: {  	s1 =	rddreg [dreg:$0x2];
	s4 =	simm.s32 @!p0 $0x0;
	(pc) =	sbr.rel .LBB1_1-.Ltmp0, $4  }
0xa: {  	s11 =	simm.s32 $0x0;
	s3 =	rddreg [dreg:$0x1];
	s5 =	sadd.s32 s4, s5  }
0xb: {  	_ =	strace $0x8000004A;
	s4 =	simm.s32 $0x1;
	s5 =	smul.u32 $0xC8, s5  }
0xc: {  	s6 =	sadd.s32 $0x1800, s6;
	s10 =	smov.u32 s2;
	[sflag:s4] =	ssyncpa.u1 $0x0  }
0xd: {  	p0 =	por $0x0, $0x0;
	[sflag:s7] =	ssyncpa.u1 $0x0;
	s7 =	sor.u32 $0x1, s5  }
.LBB1_4:
0xe: {  	s16 =	sshll.u32 s13, $0x3;
	s17 =	sand.u32 $0x78, s13  }
0xf: {  	s30 =	sand.u32 $0xF800, s13;
	s12 =	sshll.u32 s12, $0x10;
	s16 =	sand.u32 $0x3C00, s16  }
0x10: {  	s31 =	sand.u32 $0x7, s13;
	s16 =	sor.u32 s17, s16;
	s17 =	sadd.s32 s3, s30  }
0x11: {  	s13 =	sshll.u32 s31, $0x12;
	s16 =	sshrl.u32 s16, $0x3;
	s12 =	sadd.s32 s12, s17  }
0x12: {  	[tilespmem:s15+$0x0 ss:$0x81] =	vst.msk $0xffff, v0;
	s13 =	sor.u32 $0x400, s13;
	s12 =	sadd.s32 s16, s12  }
0x13: {  	[hbm4b:s12+s13] =	stream.strided.scatter [tilespmem:s14], [sflag:$0x2], $0x1000, s8, s13, $0x20;
	[tilespmem:$0x4040] =	vst v63  }
.LBB1_5:
0x14: {  	s14 =	sadd.s32 $0x1, s9  }
0x15: {  	s12 =	sadd.s32 $0x1000, s10;
	s16 =	smov.u32 s10;
	p2 =	sgt.s32 s14, $0xC7  }
0x16: {  	s16 =	smov.u32 @p2 s12  }
0x17: {  	s14 =	simm.s32 @p2 $0x0;
	p2 =	sgt.s32 s16, $0x3FFF  }
0x18: {  	s16 =	smov.u32 @p2 s2;
	p2 =	sne.s32 s11, s7  }
.Ltmp1:
0x19: {  	p1 =	slt.u32 s11, $0x2;
	(pc) =	sbr.rel @!p2 .LBB1_6-.Ltmp1, $4  }
0x1a: {  	s15 =	simm.s32 @!p1 $0x2  }
0x1b: {  	s13 =	smov.u32 s10;
	p0 =	por !p0, !p0;
	_ =	swait.ge @!p1 [sflag:s15], $0x1000  }
0x1c: {  	s12 =	smov.u32 s9;
	[sflag:s15] =	ssyncset.done @!p1 $0x0;
	s9 =	smov.u32 s14  }
0x1d: {  	s11 =	sadd.s32 $0x1, s11;
	[sflag:s15] =	ssyncadd.s32 @!p1 $0xFFFFF000;
	s10 =	smov.u32 s16  }
.LBB1_1:
0x1e: {  	p1 =	sge.u32 s11, s5  }
0x1f: {  	s14 =	sand.u32 @!p1 $0x1FFFFFF, s9  }
0x20: {  	s15 =	smulhi.u32 @!p1 $0x147AE15, s14;
	_ =	sdelay $0x1  }
0x21: {  	s15 =	smul.u32 @!p1 $0xC8, s15  }
0x22: {  	s16 =	sxor.u32 @!p1 $0xFFFFFFFF, s11;
	s17 =	smul.u32 @!p1 $0xC80, s10  }
0x23: {  	s31 =	sadd.s32 $0xFFFFFFFF, s11;
	s16 =	sshll.u32 @!p1 s16, $0xC;
	s14 =	ssub.s32 @!p1 s14, s15  }
0x24: {  	s15 =	sand.u32 @!p1 $0x1000, s16;
	s16 =	sadd.s32 @!p1 s6, s17;
	s14 =	sshll.u32 @!p1 s14, $0x4  }
0x25: {  	s17 =	simm.s32 @!p1 $0x6400;
	s14 =	sadd.s32 @!p1 s14, s16;
	s16 =	simm.s32 @!p1 $0x20  }
0x26: {  	[tilespmem:s15], [sflag:$0x1] =	stream.strided.gather @!p1 [hbm4b:s14+s16], $0x1000, s17, s16, $0x38;
	[tilespmem:$0x4040] =	vst v63  }
0x27: {  	p1 =	sge.u32 s31, s5  }
.Ltmp2:
0x28: {  	_ = 	snop;
	(pc) =	sbr.rel @p1 .LBB1_5-.Ltmp2, $1  }
0x29: {  	_ =	sdelay $0x3  }
0x2a: {  	s14 =	simm.s32 $0x1  }
0x2b: {  	_ =	swait.ge [sflag:s4], $0x1000;
	s14 =	simm.s32 @!p0 $0x0  }
0x2c: {  	[sflag:s4] =	ssyncset.done $0x0;
	s15 =	sshll.u32 s14, $0xC  }
0x2d: {  	[sflag:s4] =	ssyncadd.s32 $0xFFFFF000;
	s18 =	sor.u32 $0x10, s15  }
0x2e: {  	s14 =	smul.u32 $0x4080, s14;
	v1 =	vld [tilespmem:s18+$0x0]  }
0x2f: {  	s30 =	sand.u32 $0x1, s11;
	v0 =	vld [tilespmem:s18+$0xFFFFFFF0]  }
0x30: {  	s15 =	smul.u32 $0x4080, s30;
	s14 =	sshrl.u32 s14, $0x2  }
0x31: {  	s16 =	sor.u32 $0x2000, s14  }
0x32: {  	s31 =	sshrl.u32 s15, $0x2;
	s15 =	sadd.s32 $0x0, s16  }
0x33: {  	s17 =	simm.s32 $0x4;
	s18 =	sadd.s32 $0x20, s18;
	s14 =	sor.u32 $0x2000, s31;
	[tilespmem:s15+$0x810 ss:$0x81] =	vst.msk $0xffff, v1  }
.LBB1_3:
0x34: {  	v1 =	vld [tilespmem:s18+$0x0];
	p1 =	sne.s32 s17, $0x1FC;
	[tilespmem:s15+$0x0 ss:$0x81] =	vst.msk $0xffff, v0;
	s15 =	smov.u32 s17;
	s17 =	sadd.s32 $0x4, s17  }
.Ltmp3:
0x35: {  	v0 =	vld [tilespmem:s18+$0xFFFFFFF0];
	(pc) =	sbr.rel @p1 .LBB1_3-.Ltmp3, $4  }
0x36: {  	_ = 	snop  }
0x37: {  	s15 =	sshra.s32 s15, $0x2  }
0x38: {  	s15 =	sadd.s32 s15, s16  }
0x39: {  	s18 =	sadd.s32 $0x20, s18;
	[tilespmem:s15+$0x810 ss:$0x81] =	vst.msk $0xffff, v1  }
.Ltmp4:
0x3a: {  	_ = 	snop;
	(pc) =	sbr.rel .LBB1_4-.Ltmp4, $1  }
0x3b: {  	_ =	sdelay $0x3  }
.LBB1_6:
0x3c: {  	_ =	sfence.sel $0x180000  }
0x3d: {  	s2 =	simm.s32 $0x1;
	[bflag:$0x0] =	sbarrier.arrive $0xFFFF  }
0x3e: {  	s31 =	simm.s32 $0x2;
	[sflag:s2] =	ssyncpa.u1 $0x1  }
0x3f: {  	[sflag:s31] =	ssyncpa.u1 $0x1  }
0x40: {  	p0 =	sne.s32 s0, $0x0;
	_ =	strace $0x9000004A  }
0x41: {  	s0 =	sadd.s32 @!p0 $0x100000, s1;
	[bflag:$0x2] =	sbarrier.arrive $0xFFFF  }
0x42: {  	[sflag:s0] =	ssyncadd.tile.s32 @!p0 $0x1;
	_ =	shalt  }
.Lfunc_end1:
_tile_overlayer_lowered:
.L_overlay_start_2:
0x43: {  	(tag) =	ssettag $0x2  }
0x44: {  	s0 =	rddreg [dreg:$0x0];
	s2 =	stileid.u32  }
0x45: {  	s1 =	rddreg [dreg:$0x1];
	p0 =	sne.s32 s2, $0x0  }
0x46: {  	s3 =	rddreg [dreg:$0x2];
	[bflag:$0x3] =	sbarrier.arrive $0xFFFF;
	s2 =	simm.s32 @!p0 $0x1C01  }
0x47: {  	[timem:s3], [sflag:s2] =	dma.local @!p0 [hbm:s0], s1  }
0x48: {  	s0 =	simm.s32 @!p0 $0x1  }
0x49: {  	_ =	swait.ge @!p0 [sflag:s0], s1  }
0x4a: {  	s1 =	ssub.s32 @!p0 $0x0, s1;
	[sflag:s0] =	ssyncset.done @!p0 $0x0  }
0x4b: {  	[sflag:s0] =	ssyncadd.s32 @!p0 s1  }
0x4c: {  	[bflag:$0x3] =	sbarrier.arrive $0xFFFF  }
0x4d: {  	_ =	shalt  }

</sc_bundles>
